<compile_context>
chip_gen: v7x
topology: tpu7x:2x2x1
jax: 0.10.2.dev20260603
libtpu: 0.0.44.dev20260713+nightly
codegen_flags: <defaults>
</compile_context>

<pallas_src>
import functools

import jax
import jax.numpy as jnp
from jax import lax
from jax.experimental import pallas as pl
from jax.experimental.pallas import tpu as pltpu
from jax.experimental.pallas import tpu_sc as plsc

N = 10000
E = 320000
D = 128

NW = 32
CHUNK = 128
CHUNKS_PER_W = 80
WIN = 16
NBUF = 2
E_PAD = NW * CHUNKS_PER_W * CHUNK
N_PAD = 10112
ROWS_PER_TILE = N_PAD // 16

DEG_A = 80
EBLK = 8000


def _ln_proj_body(x_ref, g_ref, b_ref, wpt_ref, bp_ref, h_ref, hp_ref):
    x = x_ref[...]
    mu = jnp.mean(x, axis=1, keepdims=True)
    var = jnp.mean((x - mu) ** 2, axis=1, keepdims=True)
    h = (x - mu) * lax.rsqrt(var + 1e-5)
    h = h * g_ref[...] + b_ref[...]
    h = jnp.maximum(h, 0.0)
    h_ref[...] = h
    hp = jnp.dot(h, wpt_ref[...], preferred_element_type=jnp.float32) + bp_ref[...]
    hp_ref[...] = jnp.maximum(hp, 0.0)


def _ln_proj(x, gamma, beta, WpT, bp):
    blk = 1000
    grid = N // blk
    return pl.pallas_call(
        _ln_proj_body,
        grid=(grid,),
        in_specs=[
            pl.BlockSpec((blk, D), lambda i: (i, 0)),
            pl.BlockSpec((1, D), lambda i: (0, 0)),
            pl.BlockSpec((1, D), lambda i: (0, 0)),
            pl.BlockSpec((D, D), lambda i: (0, 0)),
            pl.BlockSpec((1, D), lambda i: (0, 0)),
        ],
        out_specs=[
            pl.BlockSpec((blk, D), lambda i: (i, 0)),
            pl.BlockSpec((blk, D), lambda i: (i, 0)),
        ],
        out_shape=[
            jax.ShapeDtypeStruct((N, D), jnp.float32),
            jax.ShapeDtypeStruct((N, D), jnp.float32),
        ],
    )(x, gamma, beta, WpT, bp)


def _deg_body(dst_ref, deg_ref):
    step = pl.program_id(0)
    d = dst_ref[...]
    a = jnp.right_shift(d, 7)
    b = jnp.bitwise_and(d, 127)
    a_oh = (a == lax.broadcasted_iota(jnp.int32, (EBLK, DEG_A), 1)
            ).astype(jnp.bfloat16)
    b_oh = (b == lax.broadcasted_iota(jnp.int32, (EBLK, D), 1)
            ).astype(jnp.bfloat16)
    partial = lax.dot_general(a_oh, b_oh, (((0,), (0,)), ((), ())),
                              preferred_element_type=jnp.float32)

    @pl.when(step == 0)
    def _():
        deg_ref[...] = jnp.zeros_like(deg_ref)

    deg_ref[...] += partial


def _deg_histogram(dst_col):
    grid = E // EBLK
    return pl.pallas_call(
        _deg_body,
        grid=(grid,),
        in_specs=[pl.BlockSpec((EBLK, 1), lambda i: (i, 0))],
        out_specs=pl.BlockSpec((DEG_A, D), lambda i: (0, 0)),
        out_shape=jax.ShapeDtypeStruct((DEG_A, D), jnp.float32),
    )(dst_col)


def _sc_segment_sum_body(src_hbm, dst_hbm, hproj_hbm, zfeat_hbm,
                         sums_out, src_v, dst_v, rows_v,
                         gs0, gs1, ss0, ss1, sum_sh):
    cid = lax.axis_index("c")
    sid = lax.axis_index("s")
    wid = cid * 16 + sid
    gsem = (gs0, gs1)
    ssem = (ss0, ss1)

    r0 = sid * ROWS_PER_TILE
    pltpu.sync_copy(zfeat_hbm.at[pl.ds(r0, ROWS_PER_TILE)],
                    sum_sh.at[pl.ds(r0, ROWS_PER_TILE)])

    plsc.subcore_barrier()

    def win_body(w, carry):
        pltpu.sync_copy(src_hbm.at[wid, pl.ds(w * WIN, WIN)], src_v)
        pltpu.sync_copy(dst_hbm.at[wid, pl.ds(w * WIN, WIN)], dst_v)

        def body(g, carry2):
            j0 = NBUF * g
            dg = [pltpu.async_copy(hproj_hbm.at[src_v.at[j0 + b]],
                                   rows_v.at[b], gsem[b])
                  for b in range(NBUF)]
            ds = []
            for b in range(NBUF):
                dg[b].wait()
                ds.append(pltpu.async_copy(rows_v.at[b],
                                           sum_sh.at[dst_v.at[j0 + b]],
                                           ssem[b], add=True))
            for b in range(NBUF):
                ds[b].wait()
            return carry2

        lax.fori_loop(0, WIN // NBUF, body, 0)
        return carry

    lax.fori_loop(0, CHUNKS_PER_W // WIN, win_body, 0)

    plsc.subcore_barrier()

    o0 = cid * N_PAD + r0
    pltpu.sync_copy(sum_sh.at[pl.ds(r0, ROWS_PER_TILE)],
                    sums_out.at[pl.ds(o0, ROWS_PER_TILE)])


_sc_segment_sum = functools.partial(
    pl.kernel,
    out_type=jax.ShapeDtypeStruct((2 * N_PAD, D), jnp.float32),
    mesh=plsc.VectorSubcoreMesh(core_axis_name="c", subcore_axis_name="s"),
    scratch_types=[
        pltpu.VMEM((WIN, CHUNK), jnp.int32),
        pltpu.VMEM((WIN, CHUNK), jnp.int32),
        pltpu.VMEM((NBUF, CHUNK, D), jnp.float32),
        pltpu.SemaphoreType.DMA,
        pltpu.SemaphoreType.DMA,
        pltpu.SemaphoreType.DMA,
        pltpu.SemaphoreType.DMA,
        pltpu.VMEM_SHARED((N_PAD, D), jnp.float32),
    ],
)(_sc_segment_sum_body)


def _out_body(h_ref, sums_ref, degs_ref, wlt_ref, bl_ref, wrt_ref, o_ref):
    s = sums_ref[...]
    summed = s[0] + s[1]
    deg = degs_ref[...]
    aggr = summed / jnp.maximum(deg, 1.0)
    o_ref[...] = (jnp.dot(aggr, wlt_ref[...], preferred_element_type=jnp.float32)
                  + bl_ref[...]
                  + jnp.dot(h_ref[...], wrt_ref[...],
                            preferred_element_type=jnp.float32))


def _combine(h, sums, degs, WlT, bl, WrT):
    blk = 1000
    grid = N // blk
    return pl.pallas_call(
        _out_body,
        grid=(grid,),
        in_specs=[
            pl.BlockSpec((blk, D), lambda i: (i, 0)),
            pl.BlockSpec((2, blk, D), lambda i: (0, i, 0)),
            pl.BlockSpec((blk, 1), lambda i: (i, 0)),
            pl.BlockSpec((D, D), lambda i: (0, 0)),
            pl.BlockSpec((1, D), lambda i: (0, 0)),
            pl.BlockSpec((D, D), lambda i: (0, 0)),
        ],
        out_specs=pl.BlockSpec((blk, D), lambda i: (i, 0)),
        out_shape=jax.ShapeDtypeStruct((N, D), jnp.float32),
    )(h, sums, degs, WlT, bl, WrT)


def kernel(x, edge_index, gamma, beta, Wp, bp, Wl, bl, Wr):
    ei = edge_index.astype(jnp.int32)
    pad = E_PAD - E
    src = jnp.concatenate([ei[0], jnp.zeros((pad,), jnp.int32)])
    dst = jnp.concatenate([ei[1], jnp.full((pad,), N_PAD - 1, jnp.int32)])
    src = src.reshape(NW, CHUNKS_PER_W, CHUNK)
    dst = dst.reshape(NW, CHUNKS_PER_W, CHUNK)

    h, hproj = _ln_proj(x, gamma.reshape(1, D), beta.reshape(1, D),
                        Wp.T, bp.reshape(1, D))
    deg = _deg_histogram(ei[1].reshape(E, 1))

    zfeat = jnp.zeros((N_PAD, D), jnp.float32)
    sums = _sc_segment_sum(src, dst, hproj, zfeat)

    return _combine(h, sums.reshape(2, N_PAD, D), deg.reshape(DEG_A * D, 1),
                    Wl.T, bl.reshape(1, D), Wr.T)

# --- scband reference (transcript-rebuilt; emitter-appended) ---
"""Pipeline reference for scband-gnnblock-824633721540 (READ-ONLY COPY).

The authoritative reference and input builder live on the scoring server;
editing this copy changes nothing except your own understanding.
"""

import jax, jax.numpy as jnp
import numpy as np

N = 10000
E = 320000
D_IN = 128
D_OUT = 128


def setup_inputs(seed: int = 0) -> dict:
    key = jax.random.key(seed)
    k_x, k_ei, k_wp, k_bp, k_wl, k_bl, k_wr = jax.random.split(key, 7)
    x = jax.random.normal(k_x, (N, D_IN), dtype=jnp.float32)
    edge_index = jax.random.randint(k_ei, (2, E), 0, N, dtype=jnp.int64)
    # LayerNorm affine params
    gamma = jnp.ones((D_IN,), dtype=jnp.float32)
    beta = jnp.zeros((D_IN,), dtype=jnp.float32)
    # SAGEConv(project=True): projection Linear(D_IN, D_IN, bias=True)
    Wp = jax.random.normal(k_wp, (D_IN, D_IN), dtype=jnp.float32) * (1.0 / np.sqrt(D_IN))
    bp = jax.random.normal(k_bp, (D_IN,), dtype=jnp.float32) * 0.01
    # lin_l: applied to aggregated neighbor features (bias=True)
    Wl = jax.random.normal(k_wl, (D_OUT, D_IN), dtype=jnp.float32) * (1.0 / np.sqrt(D_IN))
    bl = jax.random.normal(k_bl, (D_OUT,), dtype=jnp.float32) * 0.01
    # lin_r: applied to root features (bias=False in PyG SAGEConv)
    Wr = jax.random.normal(k_wr, (D_OUT, D_IN), dtype=jnp.float32) * (1.0 / np.sqrt(D_IN))
    return {"x": x, "edge_index": edge_index, "gamma": gamma, "beta": beta,
            "Wp": Wp, "bp": bp, "Wl": Wl, "bl": bl, "Wr": Wr}


def reference(x, edge_index, gamma, beta, Wp, bp, Wl, bl, Wr):
    # --- GNNBlock.forward (eval mode: dropout_mask=None) ---
    # LayerNorm(in_channels, elementwise_affine=True)
    mu = jnp.mean(x, axis=-1, keepdims=True)
    var = jnp.mean((x - mu) ** 2, axis=-1, keepdims=True)
    h = (x - mu) / jnp.sqrt(var + 1e-5)
    h = h * gamma + beta
    h = jax.nn.relu(h)
    # --- SAGEConv(in, out, project=True), mean aggregation ---
    # project: source features pass through Linear + ReLU; root uses unprojected h
    h_proj = jax.nn.relu(h @ Wp.T + bp)
    src = edge_index[0]
    dst = edge_index[1]
    msgs = jnp.take(h_proj, src, axis=0)  # gather over edges
    summed = jax.ops.segment_sum(msgs, dst, num_segments=N)
    deg = jax.ops.segment_sum(jnp.ones((E,), dtype=jnp.float32), dst, num_segments=N)
    aggr = summed / jnp.clip(deg, 1.0, None)[:, None]
    out = aggr @ Wl.T + bl + h @ Wr.T
    return out

if __name__ == "__main__":
    import jax
    _d = setup_inputs()
    print(jax.jit(kernel)(*tuple(_d.values())))

</pallas_src>

<mosaic_0001>
#map = affine_map<(d0, d1) -> (0, 0, 0)>
#map1 = affine_map<(d0, d1) -> (0, 0)>
module attributes {stable_mosaic.version = 14 : i64} {
  func.func @_sc_segment_sum_body(%arg0: i32, %arg1: i32, %arg2: memref<32x80x128xi32, #tpu.memory_space<hbm>>, %arg3: memref<32x80x128xi32, #tpu.memory_space<hbm>>, %arg4: memref<10000x128xf32, #tpu.memory_space<hbm>>, %arg5: memref<10112x128xf32, #tpu.memory_space<hbm>>, %arg6: memref<20224x128xf32, #tpu.memory_space<hbm>>, %arg7: memref<16x128xi32, #tpu.memory_space<vmem>>, %arg8: memref<16x128xi32, #tpu.memory_space<vmem>>, %arg9: memref<2x128x128xf32, #tpu.memory_space<vmem>>, %arg10: memref<!tpu.dma_semaphore, #tpu.memory_space<semaphore_mem>>, %arg11: memref<!tpu.dma_semaphore, #tpu.memory_space<semaphore_mem>>, %arg12: memref<!tpu.dma_semaphore, #tpu.memory_space<semaphore_mem>>, %arg13: memref<!tpu.dma_semaphore, #tpu.memory_space<semaphore_mem>>, %arg14: memref<10112x128xf32, #tpu.memory_space<vmem_shared>>) attributes {dimension_semantics = [#tpu.dimension_semantics<core_parallel>, #tpu.dimension_semantics<subcore_parallel>], iteration_bounds = array<i64: 2, 16>, scalar_prefetch = 0 : i64, scratch_operands = 8 : i64, tpu.core_type = #tpu.core_type<sc_vector_subcore>, window_params = [{transform_indices = #map}, {transform_indices = #map}, {transform_indices = #map1}, {transform_indices = #map1}, {transform_indices = #map1}]} {
    %mul3A = arith.constant 16 : i32
    %mul3A_0 = arith.muli %arg0, %mul3A : i32
    %add3A = arith.addi %mul3A_0, %arg1 : i32
    %mul3A_1 = arith.constant 632 : i32
    %mul3A_2 = arith.muli %arg1, %mul3A_1 : i32
    "tpu.region"() ({
      %run_scoped3A = tpu.sem_alloc : memref<!tpu.dma_semaphore, #tpu.memory_space<semaphore_mem>>
      %dma_start3A = arith.constant 0 : i32
      %dma_start3A_12 = tpu.memref_slice %arg14[%mul3A_2, %dma_start3A] : memref<10112x128xf32, #tpu.memory_space<vmem_shared>> -> memref<632x128xf32, #tpu.memory_space<vmem_shared>>
      %dma_start3A_13 = arith.constant 0 : i32
      %dma_start3A_14 = tpu.memref_slice %arg5[%mul3A_2, %dma_start3A_13] : memref<10112x128xf32, #tpu.memory_space<hbm>> -> memref<632x128xf32, #tpu.memory_space<hbm>>
      tpu.enqueue_dma source(%dma_start3A_14 : memref<632x128xf32, #tpu.memory_space<hbm>>) target(%dma_start3A_12 : memref<632x128xf32, #tpu.memory_space<vmem_shared>>) target_semaphore(%run_scoped3A : memref<!tpu.dma_semaphore, #tpu.memory_space<semaphore_mem>>)
      %dma_wait3A = arith.constant 0 : i32
      %dma_wait3A_15 = tpu.memref_slice %arg14[%mul3A_2, %dma_wait3A] : memref<10112x128xf32, #tpu.memory_space<vmem_shared>> -> memref<632x128xf32, #tpu.memory_space<vmem_shared>>
      %dma_wait3A_16 = arith.constant 0 : i32
      %dma_wait3A_17 = tpu.memref_slice %arg5[%mul3A_2, %dma_wait3A_16] : memref<10112x128xf32, #tpu.memory_space<hbm>> -> memref<632x128xf32, #tpu.memory_space<hbm>>
      tpu.wait_dma2 semaphore(%run_scoped3A : memref<!tpu.dma_semaphore, #tpu.memory_space<semaphore_mem>>) src(%dma_wait3A_17 : memref<632x128xf32, #tpu.memory_space<hbm>>) dst(%dma_wait3A_15 : memref<632x128xf32, #tpu.memory_space<vmem_shared>>)
      tpu.yield
    }) : () -> ()
    %barrier3A = arith.constant 0 : index
    tpu.barrier barrier_id(%barrier3A)
    %scan3A = arith.constant 0 : i32
    %scan3A_3 = arith.constant 0 : i32
    %scan3A_4 = arith.constant 5 : i32
    %scan3A_5 = arith.addi %scan3A_3, %scan3A_4 : i32
    %scan3A_6 = arith.constant 1 : i32
    scf.for %scan3A_12 = %scan3A_3 to %scan3A_5 step %scan3A_6  : i32 {
      %mul3A_13 = arith.constant 16 : i32
      %mul3A_14 = arith.muli %scan3A_12, %mul3A_13 : i32
      "tpu.region"() ({
        %run_scoped3A = tpu.sem_alloc : memref<!tpu.dma_semaphore, #tpu.memory_space<semaphore_mem>>
        %dma_start3A = arith.constant 0 : i32
        %dma_start3A_23 = tpu.memref_slice %arg2[%add3A, %mul3A_14, %dma_start3A] : memref<32x80x128xi32, #tpu.memory_space<hbm>> -> memref<1x16x128xi32, #tpu.memory_space<hbm>>
        %dma_start3A_24 = tpu.memref_squeeze %dma_start3A_23 : memref<1x16x128xi32, #tpu.memory_space<hbm>> -> memref<16x128xi32, #tpu.memory_space<hbm>>
        %dma_start3A_25 = arith.constant 0 : i32
        %dma_start3A_26 = tpu.memref_slice %arg2[%add3A, %mul3A_14, %dma_start3A_25] : memref<32x80x128xi32, #tpu.memory_space<hbm>> -> memref<1x16x128xi32, #tpu.memory_space<hbm>>
        %dma_start3A_27 = tpu.memref_squeeze %dma_start3A_26 : memref<1x16x128xi32, #tpu.memory_space<hbm>> -> memref<16x128xi32, #tpu.memory_space<hbm>>
        tpu.enqueue_dma source(%dma_start3A_27 : memref<16x128xi32, #tpu.memory_space<hbm>>) target(%arg7 : memref<16x128xi32, #tpu.memory_space<vmem>>) target_semaphore(%run_scoped3A : memref<!tpu.dma_semaphore, #tpu.memory_space<semaphore_mem>>)
        %dma_wait3A = arith.constant 0 : i32
        %dma_wait3A_28 = tpu.memref_slice %arg2[%add3A, %mul3A_14, %dma_wait3A] : memref<32x80x128xi32, #tpu.memory_space<hbm>> -> memref<1x16x128xi32, #tpu.memory_space<hbm>>
        %dma_wait3A_29 = tpu.memref_squeeze %dma_wait3A_28 : memref<1x16x128xi32, #tpu.memory_space<hbm>> -> memref<16x128xi32, #tpu.memory_space<hbm>>
        %dma_wait3A_30 = arith.constant 0 : i32
        %dma_wait3A_31 = tpu.memref_slice %arg2[%add3A, %mul3A_14, %dma_wait3A_30] : memref<32x80x128xi32, #tpu.memory_space<hbm>> -> memref<1x16x128xi32, #tpu.memory_space<hbm>>
        %dma_wait3A_32 = tpu.memref_squeeze %dma_wait3A_31 : memref<1x16x128xi32, #tpu.memory_space<hbm>> -> memref<16x128xi32, #tpu.memory_space<hbm>>
        tpu.wait_dma2 semaphore(%run_scoped3A : memref<!tpu.dma_semaphore, #tpu.memory_space<semaphore_mem>>) src(%dma_wait3A_32 : memref<16x128xi32, #tpu.memory_space<hbm>>) dst(%arg7 : memref<16x128xi32, #tpu.memory_space<vmem>>)
        tpu.yield
      }) : () -> ()
      %mul3A_15 = arith.constant 16 : i32
      %mul3A_16 = arith.muli %scan3A_12, %mul3A_15 : i32
      "tpu.region"() ({
        %run_scoped3A = tpu.sem_alloc : memref<!tpu.dma_semaphore, #tpu.memory_space<semaphore_mem>>
        %dma_start3A = arith.constant 0 : i32
        %dma_start3A_23 = tpu.memref_slice %arg3[%add3A, %mul3A_16, %dma_start3A] : memref<32x80x128xi32, #tpu.memory_space<hbm>> -> memref<1x16x128xi32, #tpu.memory_space<hbm>>
        %dma_start3A_24 = tpu.memref_squeeze %dma_start3A_23 : memref<1x16x128xi32, #tpu.memory_space<hbm>> -> memref<16x128xi32, #tpu.memory_space<hbm>>
        %dma_start3A_25 = arith.constant 0 : i32
        %dma_start3A_26 = tpu.memref_slice %arg3[%add3A, %mul3A_16, %dma_start3A_25] : memref<32x80x128xi32, #tpu.memory_space<hbm>> -> memref<1x16x128xi32, #tpu.memory_space<hbm>>
        %dma_start3A_27 = tpu.memref_squeeze %dma_start3A_26 : memref<1x16x128xi32, #tpu.memory_space<hbm>> -> memref<16x128xi32, #tpu.memory_space<hbm>>
        tpu.enqueue_dma source(%dma_start3A_27 : memref<16x128xi32, #tpu.memory_space<hbm>>) target(%arg8 : memref<16x128xi32, #tpu.memory_space<vmem>>) target_semaphore(%run_scoped3A : memref<!tpu.dma_semaphore, #tpu.memory_space<semaphore_mem>>)
        %dma_wait3A = arith.constant 0 : i32
        %dma_wait3A_28 = tpu.memref_slice %arg3[%add3A, %mul3A_16, %dma_wait3A] : memref<32x80x128xi32, #tpu.memory_space<hbm>> -> memref<1x16x128xi32, #tpu.memory_space<hbm>>
        %dma_wait3A_29 = tpu.memref_squeeze %dma_wait3A_28 : memref<1x16x128xi32, #tpu.memory_space<hbm>> -> memref<16x128xi32, #tpu.memory_space<hbm>>
        %dma_wait3A_30 = arith.constant 0 : i32
        %dma_wait3A_31 = tpu.memref_slice %arg3[%add3A, %mul3A_16, %dma_wait3A_30] : memref<32x80x128xi32, #tpu.memory_space<hbm>> -> memref<1x16x128xi32, #tpu.memory_space<hbm>>
        %dma_wait3A_32 = tpu.memref_squeeze %dma_wait3A_31 : memref<1x16x128xi32, #tpu.memory_space<hbm>> -> memref<16x128xi32, #tpu.memory_space<hbm>>
        tpu.wait_dma2 semaphore(%run_scoped3A : memref<!tpu.dma_semaphore, #tpu.memory_space<semaphore_mem>>) src(%dma_wait3A_32 : memref<16x128xi32, #tpu.memory_space<hbm>>) dst(%arg8 : memref<16x128xi32, #tpu.memory_space<vmem>>)
        tpu.yield
      }) : () -> ()
      %scan3A_17 = arith.constant 0 : i32
      %scan3A_18 = arith.constant 0 : i32
      %scan3A_19 = arith.constant 8 : i32
      %scan3A_20 = arith.addi %scan3A_18, %scan3A_19 : i32
      %scan3A_21 = arith.constant 1 : i32
      scf.for %scan3A_23 = %scan3A_18 to %scan3A_20 step %scan3A_21  : i32 {
        %mul3A_24 = arith.constant 2 : i32
        %mul3A_25 = arith.muli %mul3A_24, %scan3A_23 : i32
        %add3A_26 = arith.constant 0 : i32
        %add3A_27 = arith.addi %mul3A_25, %add3A_26 : i32
        %dma_start3A = arith.constant 0 : i32
        %dma_start3A_28 = arith.constant 0 : i32
        %dma_start3A_29 = arith.constant 0 : i32
        %dma_start3A_30 = tpu.memref_slice %arg9[%dma_start3A, %dma_start3A_28, %dma_start3A_29] : memref<2x128x128xf32, #tpu.memory_space<vmem>> -> memref<1x128x128xf32, #tpu.memory_space<vmem>>
        %dma_start3A_31 = tpu.memref_squeeze %dma_start3A_30 : memref<1x128x128xf32, #tpu.memory_space<vmem>> -> memref<128x128xf32, #tpu.memory_space<vmem>>
        %dma_start3A_32 = arith.constant 0 : i32
        %dma_start3A_33 = tpu.memref_slice %arg7[%add3A_27, %dma_start3A_32] : memref<16x128xi32, #tpu.memory_space<vmem>> -> memref<1x128xi32, #tpu.memory_space<vmem>>
        %dma_start3A_34 = tpu.memref_squeeze %dma_start3A_33 : memref<1x128xi32, #tpu.memory_space<vmem>> -> memref<128xi32, #tpu.memory_space<vmem>>
        %dma_start3A_35 = arith.constant 0 : i32
        %dma_start3A_36 = arith.constant 0 : i32
        %dma_start3A_37 = tpu.memref_slice %arg4[%dma_start3A_35, %dma_start3A_36] : memref<10000x128xf32, #tpu.memory_space<hbm>> -> memref<10000x128xf32, #tpu.memory_space<hbm>>
        tpu.enqueue_indirect_dma source(%dma_start3A_37 : memref<10000x128xf32, #tpu.memory_space<hbm>>) target(%dma_start3A_31 : memref<128x128xf32, #tpu.memory_space<vmem>>) offsets(%dma_start3A_34 : memref<128xi32, #tpu.memory_space<vmem>>) semaphore(%arg10 : memref<!tpu.dma_semaphore, #tpu.memory_space<semaphore_mem>>)
        %add3A_38 = arith.constant 1 : i32
        %add3A_39 = arith.addi %mul3A_25, %add3A_38 : i32
        %dma_start3A_40 = arith.constant 1 : i32
        %dma_start3A_41 = arith.constant 0 : i32
        %dma_start3A_42 = arith.constant 0 : i32
        %dma_start3A_43 = tpu.memref_slice %arg9[%dma_start3A_40, %dma_start3A_41, %dma_start3A_42] : memref<2x128x128xf32, #tpu.memory_space<vmem>> -> memref<1x128x128xf32, #tpu.memory_space<vmem>>
        %dma_start3A_44 = tpu.memref_squeeze %dma_start3A_43 : memref<1x128x128xf32, #tpu.memory_space<vmem>> -> memref<128x128xf32, #tpu.memory_space<vmem>>
        %dma_start3A_45 = arith.constant 0 : i32
        %dma_start3A_46 = tpu.memref_slice %arg7[%add3A_39, %dma_start3A_45] : memref<16x128xi32, #tpu.memory_space<vmem>> -> memref<1x128xi32, #tpu.memory_space<vmem>>
        %dma_start3A_47 = tpu.memref_squeeze %dma_start3A_46 : memref<1x128xi32, #tpu.memory_space<vmem>> -> memref<128xi32, #tpu.memory_space<vmem>>
        %dma_start3A_48 = arith.constant 0 : i32
        %dma_start3A_49 = arith.constant 0 : i32
        %dma_start3A_50 = tpu.memref_slice %arg4[%dma_start3A_48, %dma_start3A_49] : memref<10000x128xf32, #tpu.memory_space<hbm>> -> memref<10000x128xf32, #tpu.memory_space<hbm>>
        tpu.enqueue_indirect_dma source(%dma_start3A_50 : memref<10000x128xf32, #tpu.memory_space<hbm>>) target(%dma_start3A_44 : memref<128x128xf32, #tpu.memory_space<vmem>>) offsets(%dma_start3A_47 : memref<128xi32, #tpu.memory_space<vmem>>) semaphore(%arg11 : memref<!tpu.dma_semaphore, #tpu.memory_space<semaphore_mem>>)
        %dma_wait3A = arith.constant 0 : i32
        %dma_wait3A_51 = arith.constant 0 : i32
        %dma_wait3A_52 = arith.constant 0 : i32
        %dma_wait3A_53 = tpu.memref_slice %arg9[%dma_wait3A, %dma_wait3A_51, %dma_wait3A_52] : memref<2x128x128xf32, #tpu.memory_space<vmem>> -> memref<1x128x128xf32, #tpu.memory_space<vmem>>
        %dma_wait3A_54 = tpu.memref_squeeze %dma_wait3A_53 : memref<1x128x128xf32, #tpu.memory_space<vmem>> -> memref<128x128xf32, #tpu.memory_space<vmem>>
        %dma_wait3A_55 = arith.constant 0 : i32
        %dma_wait3A_56 = tpu.memref_slice %arg7[%add3A_27, %dma_wait3A_55] : memref<16x128xi32, #tpu.memory_space<vmem>> -> memref<1x128xi32, #tpu.memory_space<vmem>>
        %dma_wait3A_57 = tpu.memref_squeeze %dma_wait3A_56 : memref<1x128xi32, #tpu.memory_space<vmem>> -> memref<128xi32, #tpu.memory_space<vmem>>
        %dma_wait3A_58 = arith.constant 0 : i32
        %dma_wait3A_59 = arith.constant 0 : i32
        %dma_wait3A_60 = tpu.memref_slice %arg4[%dma_wait3A_58, %dma_wait3A_59] : memref<10000x128xf32, #tpu.memory_space<hbm>> -> memref<10000x128xf32, #tpu.memory_space<hbm>>
        tpu.wait_indirect_dma semaphore(%arg10 : memref<!tpu.dma_semaphore, #tpu.memory_space<semaphore_mem>>) src(%dma_wait3A_60 : memref<10000x128xf32, #tpu.memory_space<hbm>>) dst(%dma_wait3A_54 : memref<128x128xf32, #tpu.memory_space<vmem>>)
        %add3A_61 = arith.constant 0 : i32
        %add3A_62 = arith.addi %mul3A_25, %add3A_61 : i32
        %dma_start3A_63 = arith.constant 0 : i32
        %dma_start3A_64 = arith.constant 0 : i32
        %dma_start3A_65 = arith.constant 0 : i32
        %dma_start3A_66 = tpu.memref_slice %arg9[%dma_start3A_63, %dma_start3A_64, %dma_start3A_65] : memref<2x128x128xf32, #tpu.memory_space<vmem>> -> memref<1x128x128xf32, #tpu.memory_space<vmem>>
        %dma_start3A_67 = tpu.memref_squeeze %dma_start3A_66 : memref<1x128x128xf32, #tpu.memory_space<vmem>> -> memref<128x128xf32, #tpu.memory_space<vmem>>
        %dma_start3A_68 = arith.constant 0 : i32
        %dma_start3A_69 = tpu.memref_slice %arg8[%add3A_62, %dma_start3A_68] : memref<16x128xi32, #tpu.memory_space<vmem>> -> memref<1x128xi32, #tpu.memory_space<vmem>>
        %dma_start3A_70 = tpu.memref_squeeze %dma_start3A_69 : memref<1x128xi32, #tpu.memory_space<vmem>> -> memref<128xi32, #tpu.memory_space<vmem>>
        %dma_start3A_71 = arith.constant 0 : i32
        %dma_start3A_72 = arith.constant 0 : i32
        %dma_start3A_73 = tpu.memref_slice %arg14[%dma_start3A_71, %dma_start3A_72] : memref<10112x128xf32, #tpu.memory_space<vmem_shared>> -> memref<10112x128xf32, #tpu.memory_space<vmem_shared>>
        tpu.enqueue_indirect_dma source(%dma_start3A_67 : memref<128x128xf32, #tpu.memory_space<vmem>>) target(%dma_start3A_73 : memref<10112x128xf32, #tpu.memory_space<vmem_shared>>) offsets(%dma_start3A_70 : memref<128xi32, #tpu.memory_space<vmem>>) semaphore(%arg12 : memref<!tpu.dma_semaphore, #tpu.memory_space<semaphore_mem>>) {add = true}
        %dma_wait3A_74 = arith.constant 1 : i32
        %dma_wait3A_75 = arith.constant 0 : i32
        %dma_wait3A_76 = arith.constant 0 : i32
        %dma_wait3A_77 = tpu.memref_slice %arg9[%dma_wait3A_74, %dma_wait3A_75, %dma_wait3A_76] : memref<2x128x128xf32, #tpu.memory_space<vmem>> -> memref<1x128x128xf32, #tpu.memory_space<vmem>>
        %dma_wait3A_78 = tpu.memref_squeeze %dma_wait3A_77 : memref<1x128x128xf32, #tpu.memory_space<vmem>> -> memref<128x128xf32, #tpu.memory_space<vmem>>
        %dma_wait3A_79 = arith.constant 0 : i32
        %dma_wait3A_80 = tpu.memref_slice %arg7[%add3A_39, %dma_wait3A_79] : memref<16x128xi32, #tpu.memory_space<vmem>> -> memref<1x128xi32, #tpu.memory_space<vmem>>
        %dma_wait3A_81 = tpu.memref_squeeze %dma_wait3A_80 : memref<1x128xi32, #tpu.memory_space<vmem>> -> memref<128xi32, #tpu.memory_space<vmem>>
        %dma_wait3A_82 = arith.constant 0 : i32
        %dma_wait3A_83 = arith.constant 0 : i32
        %dma_wait3A_84 = tpu.memref_slice %arg4[%dma_wait3A_82, %dma_wait3A_83] : memref<10000x128xf32, #tpu.memory_space<hbm>> -> memref<10000x128xf32, #tpu.memory_space<hbm>>
        tpu.wait_indirect_dma semaphore(%arg11 : memref<!tpu.dma_semaphore, #tpu.memory_space<semaphore_mem>>) src(%dma_wait3A_84 : memref<10000x128xf32, #tpu.memory_space<hbm>>) dst(%dma_wait3A_78 : memref<128x128xf32, #tpu.memory_space<vmem>>)
        %add3A_85 = arith.constant 1 : i32
        %add3A_86 = arith.addi %mul3A_25, %add3A_85 : i32
        %dma_start3A_87 = arith.constant 1 : i32
        %dma_start3A_88 = arith.constant 0 : i32
        %dma_start3A_89 = arith.constant 0 : i32
        %dma_start3A_90 = tpu.memref_slice %arg9[%dma_start3A_87, %dma_start3A_88, %dma_start3A_89] : memref<2x128x128xf32, #tpu.memory_space<vmem>> -> memref<1x128x128xf32, #tpu.memory_space<vmem>>
        %dma_start3A_91 = tpu.memref_squeeze %dma_start3A_90 : memref<1x128x128xf32, #tpu.memory_space<vmem>> -> memref<128x128xf32, #tpu.memory_space<vmem>>
        %dma_start3A_92 = arith.constant 0 : i32
        %dma_start3A_93 = tpu.memref_slice %arg8[%add3A_86, %dma_start3A_92] : memref<16x128xi32, #tpu.memory_space<vmem>> -> memref<1x128xi32, #tpu.memory_space<vmem>>
        %dma_start3A_94 = tpu.memref_squeeze %dma_start3A_93 : memref<1x128xi32, #tpu.memory_space<vmem>> -> memref<128xi32, #tpu.memory_space<vmem>>
        %dma_start3A_95 = arith.constant 0 : i32
        %dma_start3A_96 = arith.constant 0 : i32
        %dma_start3A_97 = tpu.memref_slice %arg14[%dma_start3A_95, %dma_start3A_96] : memref<10112x128xf32, #tpu.memory_space<vmem_shared>> -> memref<10112x128xf32, #tpu.memory_space<vmem_shared>>
        tpu.enqueue_indirect_dma source(%dma_start3A_91 : memref<128x128xf32, #tpu.memory_space<vmem>>) target(%dma_start3A_97 : memref<10112x128xf32, #tpu.memory_space<vmem_shared>>) offsets(%dma_start3A_94 : memref<128xi32, #tpu.memory_space<vmem>>) semaphore(%arg13 : memref<!tpu.dma_semaphore, #tpu.memory_space<semaphore_mem>>) {add = true}
        %dma_wait3A_98 = arith.constant 0 : i32
        %dma_wait3A_99 = arith.constant 0 : i32
        %dma_wait3A_100 = arith.constant 0 : i32
        %dma_wait3A_101 = tpu.memref_slice %arg9[%dma_wait3A_98, %dma_wait3A_99, %dma_wait3A_100] : memref<2x128x128xf32, #tpu.memory_space<vmem>> -> memref<1x128x128xf32, #tpu.memory_space<vmem>>
        %dma_wait3A_102 = tpu.memref_squeeze %dma_wait3A_101 : memref<1x128x128xf32, #tpu.memory_space<vmem>> -> memref<128x128xf32, #tpu.memory_space<vmem>>
        %dma_wait3A_103 = arith.constant 0 : i32
        %dma_wait3A_104 = tpu.memref_slice %arg8[%add3A_62, %dma_wait3A_103] : memref<16x128xi32, #tpu.memory_space<vmem>> -> memref<1x128xi32, #tpu.memory_space<vmem>>
        %dma_wait3A_105 = tpu.memref_squeeze %dma_wait3A_104 : memref<1x128xi32, #tpu.memory_space<vmem>> -> memref<128xi32, #tpu.memory_space<vmem>>
        %dma_wait3A_106 = arith.constant 0 : i32
        %dma_wait3A_107 = arith.constant 0 : i32
        %dma_wait3A_108 = tpu.memref_slice %arg14[%dma_wait3A_106, %dma_wait3A_107] : memref<10112x128xf32, #tpu.memory_space<vmem_shared>> -> memref<10112x128xf32, #tpu.memory_space<vmem_shared>>
        tpu.wait_indirect_dma semaphore(%arg12 : memref<!tpu.dma_semaphore, #tpu.memory_space<semaphore_mem>>) src(%dma_wait3A_102 : memref<128x128xf32, #tpu.memory_space<vmem>>) dst(%dma_wait3A_108 : memref<10112x128xf32, #tpu.memory_space<vmem_shared>>)
        %dma_wait3A_109 = arith.constant 1 : i32
        %dma_wait3A_110 = arith.constant 0 : i32
        %dma_wait3A_111 = arith.constant 0 : i32
        %dma_wait3A_112 = tpu.memref_slice %arg9[%dma_wait3A_109, %dma_wait3A_110, %dma_wait3A_111] : memref<2x128x128xf32, #tpu.memory_space<vmem>> -> memref<1x128x128xf32, #tpu.memory_space<vmem>>
        %dma_wait3A_113 = tpu.memref_squeeze %dma_wait3A_112 : memref<1x128x128xf32, #tpu.memory_space<vmem>> -> memref<128x128xf32, #tpu.memory_space<vmem>>
        %dma_wait3A_114 = arith.constant 0 : i32
        %dma_wait3A_115 = tpu.memref_slice %arg8[%add3A_86, %dma_wait3A_114] : memref<16x128xi32, #tpu.memory_space<vmem>> -> memref<1x128xi32, #tpu.memory_space<vmem>>
        %dma_wait3A_116 = tpu.memref_squeeze %dma_wait3A_115 : memref<1x128xi32, #tpu.memory_space<vmem>> -> memref<128xi32, #tpu.memory_space<vmem>>
        %dma_wait3A_117 = arith.constant 0 : i32
        %dma_wait3A_118 = arith.constant 0 : i32
        %dma_wait3A_119 = tpu.memref_slice %arg14[%dma_wait3A_117, %dma_wait3A_118] : memref<10112x128xf32, #tpu.memory_space<vmem_shared>> -> memref<10112x128xf32, #tpu.memory_space<vmem_shared>>
        tpu.wait_indirect_dma semaphore(%arg13 : memref<!tpu.dma_semaphore, #tpu.memory_space<semaphore_mem>>) src(%dma_wait3A_113 : memref<128x128xf32, #tpu.memory_space<vmem>>) dst(%dma_wait3A_119 : memref<10112x128xf32, #tpu.memory_space<vmem_shared>>)
      }
      %scan3A_22 = arith.constant 8 : i32
    }
    %scan3A_7 = arith.constant 5 : i32
    %barrier3A_8 = arith.constant 0 : index
    tpu.barrier barrier_id(%barrier3A_8)
    %mul3A_9 = arith.constant 10112 : i32
    %mul3A_10 = arith.muli %arg0, %mul3A_9 : i32
    %add3A_11 = arith.addi %mul3A_10, %mul3A_2 : i32
    "tpu.region"() ({
      %run_scoped3A = tpu.sem_alloc : memref<!tpu.dma_semaphore, #tpu.memory_space<semaphore_mem>>
      %dma_start3A = arith.constant 0 : i32
      %dma_start3A_12 = tpu.memref_slice %arg6[%add3A_11, %dma_start3A] : memref<20224x128xf32, #tpu.memory_space<hbm>> -> memref<632x128xf32, #tpu.memory_space<hbm>>
      %dma_start3A_13 = arith.constant 0 : i32
      %dma_start3A_14 = tpu.memref_slice %arg14[%mul3A_2, %dma_start3A_13] : memref<10112x128xf32, #tpu.memory_space<vmem_shared>> -> memref<632x128xf32, #tpu.memory_space<vmem_shared>>
      tpu.enqueue_dma source(%dma_start3A_14 : memref<632x128xf32, #tpu.memory_space<vmem_shared>>) target(%dma_start3A_12 : memref<632x128xf32, #tpu.memory_space<hbm>>) target_semaphore(%run_scoped3A : memref<!tpu.dma_semaphore, #tpu.memory_space<semaphore_mem>>)
      %dma_wait3A = arith.constant 0 : i32
      %dma_wait3A_15 = tpu.memref_slice %arg6[%add3A_11, %dma_wait3A] : memref<20224x128xf32, #tpu.memory_space<hbm>> -> memref<632x128xf32, #tpu.memory_space<hbm>>
      %dma_wait3A_16 = arith.constant 0 : i32
      %dma_wait3A_17 = tpu.memref_slice %arg14[%mul3A_2, %dma_wait3A_16] : memref<10112x128xf32, #tpu.memory_space<vmem_shared>> -> memref<632x128xf32, #tpu.memory_space<vmem_shared>>
      tpu.wait_dma2 semaphore(%run_scoped3A : memref<!tpu.dma_semaphore, #tpu.memory_space<semaphore_mem>>) src(%dma_wait3A_17 : memref<632x128xf32, #tpu.memory_space<vmem_shared>>) dst(%dma_wait3A_15 : memref<632x128xf32, #tpu.memory_space<hbm>>)
      tpu.yield
    }) : () -> ()
    return
  }
}

module attributes {stable_mosaic.version = 14 : i64} {
  func.func @_ln_proj_body(%arg0: i32, %arg1: memref<1000x128xf32, #tpu.memory_space<vmem>>, %arg2: memref<1x128xf32, #tpu.memory_space<vmem>>, %arg3: memref<1x128xf32, #tpu.memory_space<vmem>>, %arg4: memref<128x128xf32, #tpu.memory_space<vmem>>, %arg5: memref<1x128xf32, #tpu.memory_space<vmem>>, %arg6: memref<1000x128xf32, #tpu.memory_space<vmem>>, %arg7: memref<1000x128xf32, #tpu.memory_space<vmem>>) attributes {dimension_semantics = [#tpu.dimension_semantics<arbitrary>], iteration_bounds = array<i64: 10>, scalar_prefetch = 0 : i64, scratch_operands = 0 : i64, tpu.core_type = #tpu.core_type<tc>, window_params = [{transform_indices = @transform_0, window_bounds = array<i64: 1000, 128>}, {pipeline_mode = #tpu.pipeline_mode<synchronous>, transform_indices = @transform_1, window_bounds = array<i64: 1, 128>}, {pipeline_mode = #tpu.pipeline_mode<synchronous>, transform_indices = @transform_2, window_bounds = array<i64: 1, 128>}, {pipeline_mode = #tpu.pipeline_mode<synchronous>, transform_indices = @transform_3, window_bounds = array<i64: 128, 128>}, {pipeline_mode = #tpu.pipeline_mode<synchronous>, transform_indices = @transform_4, window_bounds = array<i64: 1, 128>}, {transform_indices = @transform_5, window_bounds = array<i64: 1000, 128>}, {transform_indices = @transform_6, window_bounds = array<i64: 1000, 128>}]} {
    %get3A = arith.constant 0 : index
    %get3A_0 = arith.constant 0 : index
    %get3A_1 = vector.load %arg1[%get3A, %get3A_0] : memref<1000x128xf32, #tpu.memory_space<vmem>>, vector<1000x128xf32>
    %reduce_sum3A = arith.constant dense<0.000000e+00> : vector<1000xf32>
    %reduce_sum3A_2 = vector.multi_reduction <add>, %get3A_1, %reduce_sum3A [1] : vector<1000x128xf32> to vector<1000xf32>
    %broadcast_in_dim3A = vector.shape_cast %reduce_sum3A_2 : vector<1000xf32> to vector<1000x1xf32>
    %div3A = arith.constant 1.280000e+02 : f32
    %div3A_3 = vector.broadcast %div3A : f32 to vector<1000x1xf32>
    %div3A_4 = arith.divf %broadcast_in_dim3A, %div3A_3 : vector<1000x1xf32>
    %sub3A = vector.broadcast %div3A_4 : vector<1000x1xf32> to vector<1000x128xf32>
    %sub3A_5 = arith.subf %get3A_1, %sub3A : vector<1000x128xf32>
    %integer_pow3A = arith.mulf %sub3A_5, %sub3A_5 : vector<1000x128xf32>
    %reduce_sum3A_6 = arith.constant dense<0.000000e+00> : vector<1000xf32>
    %reduce_sum3A_7 = vector.multi_reduction <add>, %integer_pow3A, %reduce_sum3A_6 [1] : vector<1000x128xf32> to vector<1000xf32>
    %broadcast_in_dim3A_8 = vector.shape_cast %reduce_sum3A_7 : vector<1000xf32> to vector<1000x1xf32>
    %div3A_9 = arith.constant 1.280000e+02 : f32
    %div3A_10 = vector.broadcast %div3A_9 : f32 to vector<1000x1xf32>
    %div3A_11 = arith.divf %broadcast_in_dim3A_8, %div3A_10 : vector<1000x1xf32>
    %sub3A_12 = vector.broadcast %div3A_4 : vector<1000x1xf32> to vector<1000x128xf32>
    %sub3A_13 = arith.subf %get3A_1, %sub3A_12 : vector<1000x128xf32>
    %add3A = arith.constant 9.99999974E-6 : f32
    %add3A_14 = vector.broadcast %add3A : f32 to vector<1000x1xf32>
    %add3A_15 = arith.addf %div3A_11, %add3A_14 : vector<1000x1xf32>
    %rsqrt3A = math.rsqrt %add3A_15 : vector<1000x1xf32>
    %mul3A = vector.broadcast %rsqrt3A : vector<1000x1xf32> to vector<1000x128xf32>
    %mul3A_16 = arith.mulf %sub3A_13, %mul3A : vector<1000x128xf32>
    %get3A_17 = arith.constant 0 : index
    %get3A_18 = arith.constant 0 : index
    %get3A_19 = vector.load %arg2[%get3A_17, %get3A_18] : memref<1x128xf32, #tpu.memory_space<vmem>>, vector<1x128xf32>
    %mul3A_20 = vector.broadcast %get3A_19 : vector<1x128xf32> to vector<1000x128xf32>
    %mul3A_21 = arith.mulf %mul3A_16, %mul3A_20 : vector<1000x128xf32>
    %get3A_22 = arith.constant 0 : index
    %get3A_23 = arith.constant 0 : index
    %get3A_24 = vector.load %arg3[%get3A_22, %get3A_23] : memref<1x128xf32, #tpu.memory_space<vmem>>, vector<1x128xf32>
    %add3A_25 = vector.broadcast %get3A_24 : vector<1x128xf32> to vector<1000x128xf32>
    %add3A_26 = arith.addf %mul3A_21, %add3A_25 : vector<1000x128xf32>
    %max3A = arith.constant 0.000000e+00 : f32
    %max3A_27 = vector.broadcast %max3A : f32 to vector<1000x128xf32>
    %max3A_28 = arith.maximumf %add3A_26, %max3A_27 : vector<1000x128xf32>
    %swap3A = arith.constant 0 : index
    %swap3A_29 = arith.constant 0 : index
    %swap3A_30 = vector.load %arg6[%swap3A, %swap3A_29] : memref<1000x128xf32, #tpu.memory_space<vmem>>, vector<1000x128xf32>
    tpu.vector_store %arg6[%swap3A, %swap3A_29], %max3A_28 {strides = array<i32>} : memref<1000x128xf32, #tpu.memory_space<vmem>>, vector<1000x128xf32>,
    %get3A_31 = arith.constant 0 : index
    %get3A_32 = arith.constant 0 : index
    %get3A_33 = vector.load %arg4[%get3A_31, %get3A_32] : memref<128x128xf32, #tpu.memory_space<vmem>>, vector<128x128xf32>
    %dot_general3A = arith.constant dense<0.000000e+00> : vector<1000x128xf32>
    %dot_general3A_34 = tpu.matmul %max3A_28, %get3A_33, %dot_general3A {dimension_numbers = #tpu.dot_dimension_numbers<[1], [0], [0], [1], [0, 0, 1, 1], [], []>, transpose_lhs_hint = false} : vector<1000x128xf32>, vector<128x128xf32>, vector<1000x128xf32> -> vector<1000x128xf32>
    %get3A_35 = arith.constant 0 : index
    %get3A_36 = arith.constant 0 : index
    %get3A_37 = vector.load %arg5[%get3A_35, %get3A_36] : memref<1x128xf32, #tpu.memory_space<vmem>>, vector<1x128xf32>
    %add3A_38 = vector.broadcast %get3A_37 : vector<1x128xf32> to vector<1000x128xf32>
    %add3A_39 = arith.addf %dot_general3A_34, %add3A_38 : vector<1000x128xf32>
    %max3A_40 = arith.constant 0.000000e+00 : f32
    %max3A_41 = vector.broadcast %max3A_40 : f32 to vector<1000x128xf32>
    %max3A_42 = arith.maximumf %add3A_39, %max3A_41 : vector<1000x128xf32>
    %swap3A_43 = arith.constant 0 : index
    %swap3A_44 = arith.constant 0 : index
    %swap3A_45 = vector.load %arg7[%swap3A_43, %swap3A_44] : memref<1000x128xf32, #tpu.memory_space<vmem>>, vector<1000x128xf32>
    tpu.vector_store %arg7[%swap3A_43, %swap3A_44], %max3A_42 {strides = array<i32>} : memref<1000x128xf32, #tpu.memory_space<vmem>>, vector<1000x128xf32>,
    return
  }
  func.func @transform_0(%arg0: i32) -> (i32, i32) {
    %c0_i32 = arith.constant 0 : i32
    %c0_i32_0 = arith.constant 0 : i32
    return %arg0, %c0_i32 : i32, i32
  }
  func.func @transform_1(%arg0: i32) -> (i32, i32) {
    %c0_i32 = arith.constant 0 : i32
    %c0_i32_0 = arith.constant 0 : i32
    %c0_i32_1 = arith.constant 0 : i32
    return %c0_i32, %c0_i32_0 : i32, i32
  }
  func.func @transform_2(%arg0: i32) -> (i32, i32) {
    %c0_i32 = arith.constant 0 : i32
    %c0_i32_0 = arith.constant 0 : i32
    %c0_i32_1 = arith.constant 0 : i32
    return %c0_i32, %c0_i32_0 : i32, i32
  }
  func.func @transform_3(%arg0: i32) -> (i32, i32) {
    %c0_i32 = arith.constant 0 : i32
    %c0_i32_0 = arith.constant 0 : i32
    %c0_i32_1 = arith.constant 0 : i32
    return %c0_i32, %c0_i32_0 : i32, i32
  }
  func.func @transform_4(%arg0: i32) -> (i32, i32) {
    %c0_i32 = arith.constant 0 : i32
    %c0_i32_0 = arith.constant 0 : i32
    %c0_i32_1 = arith.constant 0 : i32
    return %c0_i32, %c0_i32_0 : i32, i32
  }
  func.func @transform_5(%arg0: i32) -> (i32, i32) {
    %c0_i32 = arith.constant 0 : i32
    %c0_i32_0 = arith.constant 0 : i32
    return %arg0, %c0_i32 : i32, i32
  }
  func.func @transform_6(%arg0: i32) -> (i32, i32) {
    %c0_i32 = arith.constant 0 : i32
    %c0_i32_0 = arith.constant 0 : i32
    return %arg0, %c0_i32 : i32, i32
  }
}

module attributes {stable_mosaic.version = 14 : i64} {
  func.func @_deg_body(%arg0: i32, %arg1: memref<8000x1xi32, #tpu.memory_space<vmem>>, %arg2: memref<80x128xf32, #tpu.memory_space<vmem>>) attributes {dimension_semantics = [#tpu.dimension_semantics<arbitrary>], iteration_bounds = array<i64: 40>, scalar_prefetch = 0 : i64, scratch_operands = 0 : i64, tpu.core_type = #tpu.core_type<tc>, window_params = [{transform_indices = @transform_0, window_bounds = array<i64: 8000, 1>}, {pipeline_mode = #tpu.pipeline_mode<synchronous>, transform_indices = @transform_1, window_bounds = array<i64: 80, 128>}]} {
    %get3A = arith.constant 0 : index
    %get3A_0 = arith.constant 0 : index
    %get3A_1 = vector.load %arg1[%get3A, %get3A_0] : memref<8000x1xi32, #tpu.memory_space<vmem>>, vector<8000x1xi32>
    %shift_right_arithmetic3A = arith.constant 7 : i32
    %shift_right_arithmetic3A_2 = vector.broadcast %shift_right_arithmetic3A : i32 to vector<8000x1xi32>
    %shift_right_arithmetic3A_3 = arith.shrsi %get3A_1, %shift_right_arithmetic3A_2 : vector<8000x1xi32>
    %and3A = arith.constant 127 : i32
    %and3A_4 = vector.broadcast %and3A : i32 to vector<8000x1xi32>
    %and3A_5 = arith.andi %get3A_1, %and3A_4 : vector<8000x1xi32>
    %iota3A = tpu.iota {dimensions = array<i32: 1>} : vector<8000x80xi32>
    %eq3A = vector.broadcast %shift_right_arithmetic3A_3 : vector<8000x1xi32> to vector<8000x80xi32>
    %eq3A_6 = arith.cmpi eq, %eq3A, %iota3A : vector<8000x80xi32>
    %convert_element_type3A = arith.extui %eq3A_6 : vector<8000x80xi1> to vector<8000x80xi32>
    %convert_element_type3A_7 = arith.sitofp %convert_element_type3A : vector<8000x80xi32> to vector<8000x80xf32>
    %convert_element_type3A_8 = arith.truncf %convert_element_type3A_7 : vector<8000x80xf32> to vector<8000x80xbf16>
    %iota3A_9 = tpu.iota {dimensions = array<i32: 1>} : vector<8000x128xi32>
    %eq3A_10 = vector.broadcast %and3A_5 : vector<8000x1xi32> to vector<8000x128xi32>
    %eq3A_11 = arith.cmpi eq, %eq3A_10, %iota3A_9 : vector<8000x128xi32>
    %convert_element_type3A_12 = arith.extui %eq3A_11 : vector<8000x128xi1> to vector<8000x128xi32>
    %convert_element_type3A_13 = arith.sitofp %convert_element_type3A_12 : vector<8000x128xi32> to vector<8000x128xf32>
    %convert_element_type3A_14 = arith.truncf %convert_element_type3A_13 : vector<8000x128xf32> to vector<8000x128xbf16>
    %dot_general3A = arith.constant dense<0.000000e+00> : vector<80x128xf32>
    %dot_general3A_15 = tpu.matmul %convert_element_type3A_8, %convert_element_type3A_14, %dot_general3A {dimension_numbers = #tpu.dot_dimension_numbers<[0], [0], [1], [1], [0, 1, 1, 1], [], []>, transpose_lhs_hint = false} : vector<8000x80xbf16>, vector<8000x128xbf16>, vector<80x128xf32> -> vector<80x128xf32>
    %eq3A_16 = arith.constant 0 : i32
    %eq3A_17 = arith.cmpi eq, %arg0, %eq3A_16 : i32
    %convert_element_type3A_18 = arith.extui %eq3A_17 : i1 to i32
    %cond3A = arith.constant 0 : i32
    %cond3A_19 = arith.cmpi ne, %convert_element_type3A_18, %cond3A : i32
    scf.if %cond3A_19 {
      %broadcast_in_dim3A = arith.constant 0.000000e+00 : f32
      %broadcast_in_dim3A_25 = vector.broadcast %broadcast_in_dim3A : f32 to vector<80x128xf32>
      %swap3A_26 = arith.constant 0 : index
      %swap3A_27 = arith.constant 0 : index
      %swap3A_28 = vector.load %arg2[%swap3A_26, %swap3A_27] : memref<80x128xf32, #tpu.memory_space<vmem>>, vector<80x128xf32>
      tpu.vector_store %arg2[%swap3A_26, %swap3A_27], %broadcast_in_dim3A_25 {strides = array<i32>} : memref<80x128xf32, #tpu.memory_space<vmem>>, vector<80x128xf32>,
    } else {
    }
    %get3A_20 = arith.constant 0 : index
    %get3A_21 = arith.constant 0 : index
    %get3A_22 = vector.load %arg2[%get3A_20, %get3A_21] : memref<80x128xf32, #tpu.memory_space<vmem>>, vector<80x128xf32>
    %add3A = arith.addf %get3A_22, %dot_general3A_15 : vector<80x128xf32>
    %swap3A = arith.constant 0 : index
    %swap3A_23 = arith.constant 0 : index
    %swap3A_24 = vector.load %arg2[%swap3A, %swap3A_23] : memref<80x128xf32, #tpu.memory_space<vmem>>, vector<80x128xf32>
    tpu.vector_store %arg2[%swap3A, %swap3A_23], %add3A {strides = array<i32>} : memref<80x128xf32, #tpu.memory_space<vmem>>, vector<80x128xf32>,
    return
  }
  func.func @transform_0(%arg0: i32) -> (i32, i32) {
    %c0_i32 = arith.constant 0 : i32
    %c0_i32_0 = arith.constant 0 : i32
    return %arg0, %c0_i32 : i32, i32
  }
  func.func @transform_1(%arg0: i32) -> (i32, i32) {
    %c0_i32 = arith.constant 0 : i32
    %c0_i32_0 = arith.constant 0 : i32
    %c0_i32_1 = arith.constant 0 : i32
    return %c0_i32, %c0_i32_0 : i32, i32
  }
}

module attributes {stable_mosaic.version = 14 : i64} {
  func.func @_out_body(%arg0: i32, %arg1: memref<1000x128xf32, #tpu.memory_space<vmem>>, %arg2: memref<2x1000x128xf32, #tpu.memory_space<vmem>>, %arg3: memref<1000x1xf32, #tpu.memory_space<vmem>>, %arg4: memref<128x128xf32, #tpu.memory_space<vmem>>, %arg5: memref<1x128xf32, #tpu.memory_space<vmem>>, %arg6: memref<128x128xf32, #tpu.memory_space<vmem>>, %arg7: memref<1000x128xf32, #tpu.memory_space<vmem>>) attributes {dimension_semantics = [#tpu.dimension_semantics<arbitrary>], iteration_bounds = array<i64: 10>, scalar_prefetch = 0 : i64, scratch_operands = 0 : i64, tpu.core_type = #tpu.core_type<tc>, window_params = [{transform_indices = @transform_0, window_bounds = array<i64: 1000, 128>}, {transform_indices = @transform_1, window_bounds = array<i64: 2, 1000, 128>}, {transform_indices = @transform_2, window_bounds = array<i64: 1000, 1>}, {pipeline_mode = #tpu.pipeline_mode<synchronous>, transform_indices = @transform_3, window_bounds = array<i64: 128, 128>}, {pipeline_mode = #tpu.pipeline_mode<synchronous>, transform_indices = @transform_4, window_bounds = array<i64: 1, 128>}, {pipeline_mode = #tpu.pipeline_mode<synchronous>, transform_indices = @transform_5, window_bounds = array<i64: 128, 128>}, {transform_indices = @transform_6, window_bounds = array<i64: 1000, 128>}]} {
    %get3A = arith.constant 0 : index
    %get3A_0 = arith.constant 0 : index
    %get3A_1 = arith.constant 0 : index
    %get3A_2 = vector.load %arg2[%get3A, %get3A_0, %get3A_1] : memref<2x1000x128xf32, #tpu.memory_space<vmem>>, vector<2x1000x128xf32>
    %slice3A = vector.extract_strided_slice %get3A_2 {offsets = [0, 0, 0], sizes = [1, 1000, 128], strides = [1, 1, 1]} : vector<2x1000x128xf32> to vector<1x1000x128xf32>
    %squeeze3A = vector.shape_cast %slice3A : vector<1x1000x128xf32> to vector<1000x128xf32>
    %slice3A_3 = vector.extract_strided_slice %get3A_2 {offsets = [1, 0, 0], sizes = [1, 1000, 128], strides = [1, 1, 1]} : vector<2x1000x128xf32> to vector<1x1000x128xf32>
    %squeeze3A_4 = vector.shape_cast %slice3A_3 : vector<1x1000x128xf32> to vector<1000x128xf32>
    %add3A = arith.addf %squeeze3A, %squeeze3A_4 : vector<1000x128xf32>
    %get3A_5 = arith.constant 0 : index
    %get3A_6 = arith.constant 0 : index
    %get3A_7 = vector.load %arg3[%get3A_5, %get3A_6] : memref<1000x1xf32, #tpu.memory_space<vmem>>, vector<1000x1xf32>
    %max3A = arith.constant 1.000000e+00 : f32
    %max3A_8 = vector.broadcast %max3A : f32 to vector<1000x1xf32>
    %max3A_9 = arith.maximumf %get3A_7, %max3A_8 : vector<1000x1xf32>
    %div3A = vector.broadcast %max3A_9 : vector<1000x1xf32> to vector<1000x128xf32>
    %div3A_10 = arith.divf %add3A, %div3A : vector<1000x128xf32>
    %get3A_11 = arith.constant 0 : index
    %get3A_12 = arith.constant 0 : index
    %get3A_13 = vector.load %arg4[%get3A_11, %get3A_12] : memref<128x128xf32, #tpu.memory_space<vmem>>, vector<128x128xf32>
    %dot_general3A = arith.constant dense<0.000000e+00> : vector<1000x128xf32>
    %dot_general3A_14 = tpu.matmul %div3A_10, %get3A_13, %dot_general3A {dimension_numbers = #tpu.dot_dimension_numbers<[1], [0], [0], [1], [0, 0, 1, 1], [], []>, transpose_lhs_hint = false} : vector<1000x128xf32>, vector<128x128xf32>, vector<1000x128xf32> -> vector<1000x128xf32>
    %get3A_15 = arith.constant 0 : index
    %get3A_16 = arith.constant 0 : index
    %get3A_17 = vector.load %arg5[%get3A_15, %get3A_16] : memref<1x128xf32, #tpu.memory_space<vmem>>, vector<1x128xf32>
    %add3A_18 = vector.broadcast %get3A_17 : vector<1x128xf32> to vector<1000x128xf32>
    %add3A_19 = arith.addf %dot_general3A_14, %add3A_18 : vector<1000x128xf32>
    %get3A_20 = arith.constant 0 : index
    %get3A_21 = arith.constant 0 : index
    %get3A_22 = vector.load %arg1[%get3A_20, %get3A_21] : memref<1000x128xf32, #tpu.memory_space<vmem>>, vector<1000x128xf32>
    %get3A_23 = arith.constant 0 : index
    %get3A_24 = arith.constant 0 : index
    %get3A_25 = vector.load %arg6[%get3A_23, %get3A_24] : memref<128x128xf32, #tpu.memory_space<vmem>>, vector<128x128xf32>
    %dot_general3A_26 = arith.constant dense<0.000000e+00> : vector<1000x128xf32>
    %dot_general3A_27 = tpu.matmul %get3A_22, %get3A_25, %dot_general3A_26 {dimension_numbers = #tpu.dot_dimension_numbers<[1], [0], [0], [1], [0, 0, 1, 1], [], []>, transpose_lhs_hint = false} : vector<1000x128xf32>, vector<128x128xf32>, vector<1000x128xf32> -> vector<1000x128xf32>
    %add3A_28 = arith.addf %add3A_19, %dot_general3A_27 : vector<1000x128xf32>
    %swap3A = arith.constant 0 : index
    %swap3A_29 = arith.constant 0 : index
    %swap3A_30 = vector.load %arg7[%swap3A, %swap3A_29] : memref<1000x128xf32, #tpu.memory_space<vmem>>, vector<1000x128xf32>
    tpu.vector_store %arg7[%swap3A, %swap3A_29], %add3A_28 {strides = array<i32>} : memref<1000x128xf32, #tpu.memory_space<vmem>>, vector<1000x128xf32>,
    return
  }
  func.func @transform_0(%arg0: i32) -> (i32, i32) {
    %c0_i32 = arith.constant 0 : i32
    %c0_i32_0 = arith.constant 0 : i32
    return %arg0, %c0_i32 : i32, i32
  }
  func.func @transform_1(%arg0: i32) -> (i32, i32, i32) {
    %c0_i32 = arith.constant 0 : i32
    %c0_i32_0 = arith.constant 0 : i32
    %c0_i32_1 = arith.constant 0 : i32
    return %c0_i32, %arg0, %c0_i32_0 : i32, i32, i32
  }
  func.func @transform_2(%arg0: i32) -> (i32, i32) {
    %c0_i32 = arith.constant 0 : i32
    %c0_i32_0 = arith.constant 0 : i32
    return %arg0, %c0_i32 : i32, i32
  }
  func.func @transform_3(%arg0: i32) -> (i32, i32) {
    %c0_i32 = arith.constant 0 : i32
    %c0_i32_0 = arith.constant 0 : i32
    %c0_i32_1 = arith.constant 0 : i32
    return %c0_i32, %c0_i32_0 : i32, i32
  }
  func.func @transform_4(%arg0: i32) -> (i32, i32) {
    %c0_i32 = arith.constant 0 : i32
    %c0_i32_0 = arith.constant 0 : i32
    %c0_i32_1 = arith.constant 0 : i32
    return %c0_i32, %c0_i32_0 : i32, i32
  }
  func.func @transform_5(%arg0: i32) -> (i32, i32) {
    %c0_i32 = arith.constant 0 : i32
    %c0_i32_0 = arith.constant 0 : i32
    %c0_i32_1 = arith.constant 0 : i32
    return %c0_i32, %c0_i32_0 : i32, i32
  }
  func.func @transform_6(%arg0: i32) -> (i32, i32) {
    %c0_i32 = arith.constant 0 : i32
    %c0_i32_0 = arith.constant 0 : i32
    return %arg0, %c0_i32 : i32, i32
  }
}

</mosaic_0001>

<sc_bundles>
// kernel: kernel.6.cloned.1.call-start
scs
__scs_entry_jumppad:
0x0: {  	(pc) =	sbr.rel $0x88, $3  }
0x1: {  	(tag) =	ssettag $0x0;
	lr =	simm.s32 $0x1  }
0x2: {  	[smem:$0x3F98] =	sst lr;
	_ =	strace $0xD0000000  }
0x3: {  	_ = 	snop  }
0x4: {  	_ = 	snop  }
0x5: {  	_ = 	snop  }
0x6: {  	_ = 	snop  }
0x7: {  	_ = 	snop  }
__scs_overlays_trampoline_lowered:
0x8: {  	[smem:$0x3FA7] =	sst s0  }
0x9: {  	[smem:$0x3FA8] =	sst s1  }
0xa: {  	[smem:$0x3FA9] =	sst s2  }
0xb: {  	[smem:$0x3FAA] =	sst s3  }
0xc: {  	[smem:$0x3FAB] =	sst s4  }
0xd: {  	[smem:$0x3FAC] =	sst s5  }
0xe: {  	[smem:$0x3FAD] =	sst s6  }
0xf: {  	[smem:$0x3FAE] =	sst s7  }
0x10: {  	[smem:$0x3FAF] =	sst s8  }
0x11: {  	[smem:$0x3FB0] =	sst s9;
	s0 =	simm.s32 @!p0 $0x0  }
0x12: {  	s1 =	sld [smem:$0x3F96];
	s0 =	simm.s32 @p0 $0x1  }
0x13: {  	[smem:$0x3FB1] =	sst s0;
	s0 =	simm.s32 @!p1 $0x0  }
0x14: {  	s2 =	sld [smem:$0x3F95];
	s0 =	simm.s32 @p1 $0x1  }
0x15: {  	[smem:$0x3FB2] =	sst s0;
	s0 =	simm.s32 @!p2 $0x0  }
0x16: {  	s3 =	sld [smem:$0x3FDB];
	s0 =	simm.s32 @p2 $0x1  }
0x17: {  	s4 =	simm.s32 $0x1BF5;
	[smem:$0x3FB4] =	sst s0  }
0x18: {  	s0 =	sld [smem:$0x3F97];
	_ =	swait.ge [sflag:s4], $0x0  }
0x19: {  	s7 =	sld [smem:$0x3F98]  }
0x1a: {  	s8 =	sadd.s32 $0xFFFFE003, lr  }
0x1b: {  	s9 =	sadd.s32 $0xFFFFFEF7, lr;
	s5 =	simm.s32 $0xFFFFFFFF;
	p2 =	slt.u32 s8, $0xFFFFF086  }
0x1c: {  	p1 =	slt.u32 s9, $0xF7A;
	s5 =	simm.s32 @!p2 $0x0  }
0x1d: {  	s5 =	simm.s32 @p1 $0x1;
	p0 =	seq.s32 s7, s2  }
0x1e: {  	s7 =	smul.u32 @!p0 $0xF7A, s2;
	p2 =	seq.s32 @!p0 s5, $0x0  }
0x1f: {  	s9 =	smul.u32 $0xF7A, s1;
	s8 =	simm.s32 @!p0 $0x1BF5;
	p2 =	por !p2, p0  }
0x20: {  	[sflag:s8] =	ssyncset.s32 @!p0 $0xFFFFF086;
	s6 =	sadd.s32 @!p0 s3, s7;
	s7 =	simm.s32 @!p0 $0x108  }
0x21: {  	s3 =	sadd.s32 s3, s9;
	s6 =	sadd.s32 @!p0 $0x88, s6;
	s7 =	simm.s32 @p2 $0x1082  }
0x22: {  	[simem:s7], [sflag:s8] =	dma.local @!p0 [hbm:s6], $0xF7A  }
0x23: {  	s9 =	sor.u32 $0xD0000000, s2;
	s6 =	simm.s32 $0x108;
	_ =	swait.ge @!p0 [sflag:s8], $0x0  }
0x24: {  	s3 =	sadd.s32 $0x88, s3;
	s6 =	simm.s32 @!p1 $0x1082;
	[sflag:s4] =	ssyncset.s32 $0xFFFFF086  }
0x25: {  	[simem:s6], [sflag:s4] =	dma.local [hbm:s3], $0xF7A  }
0x26: {  	[smem:$0x3F98] =	sst s1;
	(tag) =	ssettag s2;
	_ =	strace s9  }
0x27: {  	s1 =	sld [smem:$0x3FA8]  }
0x28: {  	s2 =	sld [smem:$0x3FA9]  }
0x29: {  	s4 =	sld [smem:$0x3FAB]  }
0x2a: {  	p0 =	seq.s32 s5, $0x0;
	s5 =	sld [smem:$0x3FAC]  }
0x2b: {  	s6 =	sld [smem:$0x3FAD]  }
0x2c: {  	s7 =	sld [smem:$0x3FAE]  }
0x2d: {  	s3 =	simm.s32 $0x108;
	s8 =	sld [smem:$0x3FAF]  }
0x2e: {  	s3 =	simm.s32 @!p0 $0x1082;
	s9 =	sld [smem:$0x3FB0]  }
0x2f: {  	lr =	sadd.s32 s0, s3;
	s0 =	sld [smem:$0x3FA7]  }
0x30: {  	s3 =	sld [smem:$0x3FAA]  }
0x31: {  	[smem:$0x3FB3] =	sst s10  }
0x32: {  	s10 =	sld [smem:$0x3FB1];
	_ =	sdelay $0x3  }
0x33: {  	p0 =	seq.s32 s10, $0x1;
	s10 =	sld [smem:$0x3FB3];
	_ =	sdelay $0x3  }
0x34: {  	[smem:$0x3FB3] =	sst s10  }
0x35: {  	s10 =	sld [smem:$0x3FB2];
	_ =	sdelay $0x3  }
0x36: {  	p1 =	seq.s32 s10, $0x1;
	s10 =	sld [smem:$0x3FB3];
	_ =	sdelay $0x3  }
0x37: {  	[smem:$0x3FB3] =	sst s10  }
0x38: {  	s10 =	sld [smem:$0x3FB4]  }
0x39: {  	_ = 	snop;
	(pc) =	sbr.ind lr, $3  }
0x3a: {  	_ = 	snop  }
0x3b: {  	_ = 	snop  }
0x3c: {  	p2 =	seq.s32 s10, $0x1;
	s10 =	sld [smem:$0x3FB3]  }
0x3d: {  	_ =	shalt  }
0x3e: {  	_ =	shalt  }
0x3f: {  	_ =	shalt  }
0x40: {  	_ =	shalt  }
0x41: {  	_ =	shalt  }
0x42: {  	_ =	shalt  }
0x43: {  	_ =	shalt  }
0x44: {  	_ =	shalt  }
0x45: {  	_ =	shalt  }
0x46: {  	_ =	shalt  }
0x47: {  	_ =	shalt  }
0x48: {  	_ =	shalt  }
0x49: {  	_ =	shalt  }
0x4a: {  	_ =	shalt  }
0x4b: {  	_ =	shalt  }
0x4c: {  	_ =	shalt  }
0x4d: {  	_ =	shalt  }
0x4e: {  	_ =	shalt  }
0x4f: {  	_ =	shalt  }
0x50: {  	_ =	shalt  }
0x51: {  	_ =	shalt  }
0x52: {  	_ =	shalt  }
0x53: {  	_ =	shalt  }
0x54: {  	_ =	shalt  }
0x55: {  	_ =	shalt  }
0x56: {  	_ =	shalt  }
0x57: {  	_ =	shalt  }
0x58: {  	_ =	shalt  }
0x59: {  	_ =	shalt  }
0x5a: {  	_ =	shalt  }
0x5b: {  	_ =	shalt  }
0x5c: {  	_ =	shalt  }
0x5d: {  	_ =	shalt  }
0x5e: {  	_ =	shalt  }
0x5f: {  	_ =	shalt  }
0x60: {  	_ =	shalt  }
0x61: {  	_ =	shalt  }
0x62: {  	_ =	shalt  }
0x63: {  	_ =	shalt  }
0x64: {  	_ =	shalt  }
0x65: {  	_ =	shalt  }
0x66: {  	_ =	shalt  }
0x67: {  	_ =	shalt  }
0x68: {  	_ =	shalt  }
0x69: {  	_ =	shalt  }
0x6a: {  	_ =	shalt  }
0x6b: {  	_ =	shalt  }
0x6c: {  	_ =	shalt  }
0x6d: {  	_ =	shalt  }
0x6e: {  	_ =	shalt  }
0x6f: {  	_ =	shalt  }
0x70: {  	_ =	shalt  }
0x71: {  	_ =	shalt  }
0x72: {  	_ =	shalt  }
0x73: {  	_ =	shalt  }
0x74: {  	_ =	shalt  }
0x75: {  	_ =	shalt  }
0x76: {  	_ =	shalt  }
0x77: {  	_ =	shalt  }
0x78: {  	_ =	shalt  }
0x79: {  	_ =	shalt  }
0x7a: {  	_ =	shalt  }
0x7b: {  	_ =	shalt  }
0x7c: {  	_ =	shalt  }
0x7d: {  	_ =	shalt  }
0x7e: {  	_ =	shalt  }
0x7f: {  	_ =	shalt  }
0x80: {  	_ =	shalt  }
0x81: {  	_ =	shalt  }
0x82: {  	_ =	shalt  }
0x83: {  	_ =	shalt  }
0x84: {  	_ =	shalt  }
0x85: {  	_ =	shalt  }
0x86: {  	_ =	shalt  }
0x87: {  	_ =	shalt  }
.Lfunc_end0:
.L_simem_size_0:
called_computation_lowered:
.L_overlay_start_0:
0x88: {  	s2 =	sld [smem:$0x3FD9]  }
0x89: {  	s3 =	sld [smem:$0x3FFE];
	_ =	sdelay $0x1  }
0x8a: {  	s1 =	srdreg.scid  }
0x8b: {  	s0 =	sand.u32 $0x1, s1  }
0x8c: {  	s17 =	sshll.u32 s0, $0xA;
	s2 =	sadd.s32 s3, s2  }
0x8d: {  	s2 =	sadd.s32 s2, s17  }
0x8e: {  	[smem:$0x3FBF] =	sst s2  }
0x8f: {  	_ = 	snop  }
0x90: {  	s2 =	sld [smem:$0x3FD0];
	(tm) =	ssettm $0x1  }
0x91: {  	s18 =	sld [smem:$0x3FFB];
	_ =	sdelay $0x3  }
0x92: {  	_ =	strace s18  }
0x93: {  	s3 =	sld [smem:$0x3FFC];
	_ =	sdelay $0x3  }
0x94: {  	_ =	strace s3  }
0x95: {  	s3 =	sld [smem:$0x3FFD];
	_ =	sdelay $0x3  }
0x96: {  	_ =	strace s3  }
0x97: {  	_ =	strace $0x8FFFFFFF  }
0x98: {  	s19 =	sld [smem:$0x3FDB];
	_ =	sdelay $0x1  }
0x99: {  	s4 =	simm.s32 $_scs_section_size  }
0x9a: {  	s5 =	simm.s32 $_size__tile_overlayer_lowered;
	s6 =	simm.s32 $_tile_overlayer_lowered  }
0x9b: {  	s22 =	simm.s32 $0x1BFF;
	s21 =	sshll.u32 s6, $0x1;
	s3 =	sadd.s32 s4, s19  }
0x9c: {  	s7 =	simm.s32 $0x0;
	s20 =	sshll.u32 s5, $0x1;
	s5 =	sadd.s32 s21, s3  }
0x9d: {  	[timem:s7], [sflag:s22] =	dma.local [hbm:s5], s20  }
0x9e: {  	_ =	swait.ge [sflag:s22], s20  }
0x9f: {  	s4 =	ssub.s32 $0x0, s20;
	[sflag:s22] =	ssyncset.done $0x0  }
0xa0: {  	[sflag:s22] =	ssyncadd.s32 s4;
	_ =	sdelay $0x1  }
0xa1: {  	s23 =	simm.s32 $0x1B8B  }
0xa2: {  	_ =	swait.ge [sflag:s23], $0x1  }
0xa3: {  	[sflag:s23] =	ssyncset.done $0x0  }
0xa4: {  	s25 =	simm.s32 $0x1B8E;
	s24 =	sld [smem:$0x3FFE];
	[sflag:s23] =	ssyncadd.s32 $0xFFFFFFFF  }
0xa5: {  	s26 =	simm.s32 $execute0_lowered;
	[smem:$0x3FD2] =	sst s25  }
0xa6: {  	s5 =	sshll.u32 s26, $0x1;
	_ =	strace $0x80000046;
	[dreg:$0x1] =	wrdreg $0xFFFFFFFF  }
0xa7: {  	s28 =	simm.s32 $_size_execute0_lowered;
	s3 =	sadd.s32 s3, s5;
	[dreg:$0x0] =	wrdreg $0x0  }
0xa8: {  	s5 =	sshll.u32 s28, $0x1;
	[dreg:$0x2] =	wrdreg s3  }
0xa9: {  	[dreg:$0x3] =	wrdreg s5  }
0xaa: {  	[dreg:$0x4] =	wrdreg $0xC0  }
0xab: {  	_ =	task [dreg:s7], $0x5FFFF  }
0xac: {  	[dreg:$0x1] =	wrdreg $0xFFFFFFFF  }
0xad: {  	[dreg:$0x0] =	wrdreg $0x60  }
0xae: {  	[dreg:$0x2] =	wrdreg s24  }
0xaf: {  	[dreg:$0x3] =	wrdreg s2  }
0xb0: {  	[dreg:$0x4] =	wrdreg $0x90000  }
0xb1: {  	[dreg:$0x5] =	wrdreg $0x9  }
0xb2: {  	_ =	task.clear_ibuf [dreg:s7], $0x6FFFF;
	_ =	strace $0x90000046  }
0xb3: {  	s29 =	simm.s32 $0x9;
	_ =	strace $0x80000048  }
0xb4: {  	_ =	swait.ge [sflag:s29], $0x1  }
0xb5: {  	[sflag:s29] =	ssyncadd.s32 $0xFFFFFFFF  }
0xb6: {  	_ =	strace $0x90000048  }
0xb7: {  	_ =	sfence  }
0xb8: {  	s30 =	sld [smem:$0x0];
	_ =	sdelay $0x2  }
0xb9: {  	s31 =	sshll.u32 s1, $0xD;
	s1 =	sshrl.u32 s1, $0x2  }
0xba: {  	s3 =	sand.u32 $0x4000, s31;
	s1 =	sadd.s32 s1, s30  }
0xbb: {  	s0 =	sor.u32 s3, s0;
	s1 =	sshll.u32 s1, $0x11  }
0xbc: {  	s0 =	sor.u32 s1, s0  }
0xbd: {  	s0 =	sadd.s32 $0x8F2B, s0  }
0xbe: {  	[sflag:s0] =	ssyncadd.remote.s32 $0x1  }
0xbf: {  	_ =	sfence.sel $0xFFFF  }
0xc0: {  	[dreg:$0x0] =	wrdreg $0xFFFFFFFF;
	(pc) =	sbr.abs _section_cstart, $3  }
0xc1: {  	[dreg:$0x1] =	wrdreg $0xFFFFFFFF  }
0xc2: {  	_ =	task.clear_ibuf [dreg:s7], $0x2FFFF;
	_ =	strace $0x9FFFFFFF  }
0xc3: {  	(tm) =	ssettm $0x7FFFFFFF  }
tec
execute0_lowered:
.L_overlay_start_1:
0x0: {  	(tag) =	ssettag $0x1  }
0x1: {  	s0 =	rddreg [dreg:$0x0]  }
0x2: {  	s1 =	srdreg.scid;
	s2 =	rddreg [dreg:$0x1]  }
0x3: {  	s9 =	stileid.u32;
	s3 =	rddreg [dreg:$0x2];
	s4 =	simm.s32 $0x0  }
0x4: {  	s12 =	simm.s32 $0x880;
	s14 =	simm.s32 $0x100;
	s15 =	simm.s32 $0x180  }
0x5: {  	s16 =	simm.s32 $0x900;
	s17 =	simm.s32 $0x980;
	s18 =	simm.s32 $0x200  }
0x6: {  	s19 =	simm.s32 $0x280;
	s20 =	simm.s32 $0xA00;
	[smem:$0x7FF] =	sst s4  }
0x7: {  	s21 =	simm.s32 $0xA80;
	_ =	strace $0x80000047;
	[dreg:$0x6] =	wrdreg s12  }
0x8: {  	s22 =	simm.s32 $0x300;
	s23 =	simm.s32 $0x380;
	[dreg:$0x7] =	wrdreg s14  }
0x9: {  	s24 =	simm.s32 $0xB00;
	s28 =	simm.s32 $0x680;
	[dreg:$0x8] =	wrdreg s15  }
0xa: {  	s29 =	simm.s32 $0xE00;
	s30 =	simm.s32 $0xE80;
	[dreg:$0x9] =	wrdreg s16  }
0xb: {  	s31 =	simm.s32 $0x700;
	s6 =	smul.u32 $0x2800, s9;
	[dreg:$0xa] =	wrdreg s17  }
0xc: {  	s1 =	sand.u32 $0x1, s1;
	s25 =	smul.u32 $0x2780, s9;
	[dreg:$0xb] =	wrdreg s18  }
0xd: {  	s8 =	smul.u32 $0x4F000, s9;
	s13 =	sshll.u32 s9, $0x6;
	[dreg:$0xc] =	wrdreg s19  }
0xe: {  	s9 =	simm.s32 $0x0;
	s5 =	smul.u32 $0x28000, s1;
	[dreg:$0xd] =	wrdreg s20  }
0xf: {  	s7 =	smul.u32 $0x27800, s1;
	s1 =	ssub.s32 $0x2, s1;
	[dreg:$0xe] =	wrdreg s21  }
0x10: {  	s12 =	simm.s32 $0x80;
	s14 =	simm.s32 $0x5000;
	[dreg:$0xf] =	wrdreg s22  }
0x11: {  	s15 =	simm.s32 $0x1;
	[dreg:$0x10] =	wrdreg s23;
	s16 =	simm.s32 $0x2  }
0x12: {  	[dreg:$0x11] =	wrdreg s24;
	s17 =	simm.s32 $0x3;
	s18 =	simm.s32 $0x4  }
0x13: {  	s19 =	simm.s32 $0x480;
	s20 =	simm.s32 $0xC00;
	s21 =	simm.s32 $0xC80  }
0x14: {  	s22 =	simm.s32 $0x500;
	s23 =	simm.s32 $0x580;
	s24 =	simm.s32 $0xD00  }
0x15: {  	s26 =	sshrl.u32 s1, $0x1;
	s10 =	sshrl.u32 s8, $0x2;
	s8 =	sor.u32 $0x1C05, s13  }
0x16: {  	s13 =	simm.s32 $0x1000;
	s5 =	sadd.s32 s6, s5;
	s7 =	sadd.s32 s25, s7  }
0x17: {  	s6 =	sadd.s32 s25, s0;
	s1 =	ssub.s32 s1, s26;
	s25 =	simm.s32 $0xB80  }
0x18: {  	s26 =	simm.s32 $0x400;
	[dreg:$0x15] =	wrdreg s8;
	s5 =	sshrl.u32 s5, $0x3  }
0x19: {  	s6 =	sadd.s32 $0x15600, s6;
	s1 =	smax.u32 s1, $0x1;
	[dreg:$0x12] =	wrdreg s25  }
0x1a: {  	[dreg:$0x13] =	wrdreg s26;
	s25 =	simm.s32 $0xD80;
	s26 =	simm.s32 $0x600  }
0x1b: {  	s5 =	sadd.s32 s5, s0;
	s0 =	sadd.s32 s7, s0;
	[dreg:$0x14] =	wrdreg s6  }
0x1c: {  	s7 =	sadd.s32 s10, s3;
	[dreg:$0x17] =	wrdreg s1;
	s11 =	sadd.s32 $0xB600, s5  }
0x1d: {  	s10 =	simm.s32 $0x5;
	s5 =	sadd.s32 $0x1600, s5;
	[dreg:$0x4] =	wrdreg s11  }
0x1e: {  	s1 =	simm.s32 $0x780;
	s0 =	sadd.s32 $0x3CE00, s0;
	[dreg:$0x5] =	wrdreg s5  }
0x1f: {  	s7 =	sshrl.u32 s7, $0x3;
	[dreg:$0x16] =	wrdreg s0;
	s11 =	simm.s32 $0x800  }
0x20: {  	s0 =	simm.s32 $0xF00;
	s5 =	simm.s32 $0xF80;
	[dreg:$0x18] =	wrdreg s7  }
.LBB2_1:
0x21: {  	[dreg:$0x19] =	wrdreg s9  }
0x22: {  	s6 =	rddreg [dreg:$0x14]  }
0x23: {  	[spmem:s7], [sflag:s8] =	dma.local [hbm:s6], $0x2780  }
0x24: {  	_ =	swait.ge [sflag:s10], $0x2780  }
0x25: {  	[sflag:s10] =	ssyncset.done $0x0  }
0x26: {  	[sflag:s10] =	ssyncadd.s32 $0xFFFFD880  }
0x27: {  	[bflag:$0x0] =	sbarrier.arrive $0xFFFF  }
0x28: {  	s8 =	rddreg [dreg:$0x5]  }
0x29: {  	s6 =	sadd.s32 $0x0, s8  }
0x2a: {  	[tilespmem:s4], [sflag:$0x5] =	stream.linear.gather [hbm4b:s6+s4], $0x800, $0x38;
	[tilespmem:$0x1CC00] =	vst v63  }
0x2b: {  	_ =	swait.ge [sflag:s10], $0x800  }
0x2c: {  	s9 =	rddreg [dreg:$0x4];
	[sflag:s10] =	ssyncset.done $0x0  }
0x2d: {  	[sflag:s10] =	ssyncadd.s32 $0xFFFFF800;
	s6 =	sadd.s32 $0x0, s9  }
0x2e: {  	[tilespmem:s11], [sflag:$0x5] =	stream.linear.gather [hbm4b:s6+s4], $0x800, $0x38;
	[tilespmem:$0x1CC00] =	vst v63  }
0x2f: {  	_ =	swait.ge [sflag:s10], $0x800  }
0x30: {  	[sflag:s10] =	ssyncset.done $0x0  }
0x31: {  	[sflag:s10] =	ssyncadd.s32 $0xFFFFF800  }
0x32: {  	[tilespmem:s13], [sflag:$0x1] =	stream.indirect.gather [hbm4b:s2+s12], $0x80, s4, s12, $0xb8;
	[tilespmem:$0x1CC00] =	vst v63  }
0x33: {  	_ = 	snop  }
0x34: {  	[tilespmem:s14], [sflag:$0x2] =	stream.indirect.gather [hbm4b:s2+s12], $0x80, s12, s12, $0xb8;
	[tilespmem:$0x1CC00] =	vst v63  }
0x35: {  	_ =	swait.ge [sflag:s15], $0x4000  }
0x36: {  	[sflag:s15] =	ssyncset.done $0x0  }
0x37: {  	[sflag:s15] =	ssyncadd.s32 $0xFFFFC000  }
0x38: {  	[spmem:s3] =	stream.indirect.scatter.add.f32 [tilespmem:s13], [sflag:$0x3], $0x80, s11, s12, $0xb8;
	[tilespmem:$0x1CC00] =	vst v63  }
0x39: {  	_ =	swait.ge [sflag:s16], $0x4000  }
0x3a: {  	[sflag:s16] =	ssyncset.done $0x0  }
0x3b: {  	s7 =	rddreg [dreg:$0x6];
	[sflag:s16] =	ssyncadd.s32 $0xFFFFC000  }
0x3c: {  	[spmem:s3] =	stream.indirect.scatter.add.f32 [tilespmem:s14], [sflag:$0x4], $0x80, s7, s12, $0xb8;
	[tilespmem:$0x1CC00] =	vst v63  }
0x3d: {  	_ =	swait.ge [sflag:s17], $0x4000  }
0x3e: {  	[sflag:s17] =	ssyncset.done $0x0  }
0x3f: {  	[sflag:s17] =	ssyncadd.s32 $0xFFFFC000  }
0x40: {  	_ =	swait.ge [sflag:s18], $0x4000  }
0x41: {  	[sflag:s18] =	ssyncset.done $0x0  }
0x42: {  	s8 =	rddreg [dreg:$0x7];
	[sflag:s18] =	ssyncadd.s32 $0xFFFFC000  }
0x43: {  	[tilespmem:s13], [sflag:$0x1] =	stream.indirect.gather [hbm4b:s2+s12], $0x80, s8, s12, $0xb8;
	[tilespmem:$0x1CC00] =	vst v63  }
0x44: {  	s9 =	rddreg [dreg:$0x8]  }
0x45: {  	[tilespmem:s14], [sflag:$0x2] =	stream.indirect.gather [hbm4b:s2+s12], $0x80, s9, s12, $0xb8;
	[tilespmem:$0x1CC00] =	vst v63  }
0x46: {  	_ =	swait.ge [sflag:s15], $0x4000  }
0x47: {  	[sflag:s15] =	ssyncset.done $0x0  }
0x48: {  	s7 =	rddreg [dreg:$0x9];
	[sflag:s15] =	ssyncadd.s32 $0xFFFFC000  }
0x49: {  	[spmem:s3] =	stream.indirect.scatter.add.f32 [tilespmem:s13], [sflag:$0x3], $0x80, s7, s12, $0xb8;
	[tilespmem:$0x1CC00] =	vst v63  }
0x4a: {  	_ =	swait.ge [sflag:s16], $0x4000  }
0x4b: {  	[sflag:s16] =	ssyncset.done $0x0  }
0x4c: {  	s8 =	rddreg [dreg:$0xa];
	[sflag:s16] =	ssyncadd.s32 $0xFFFFC000  }
0x4d: {  	[spmem:s3] =	stream.indirect.scatter.add.f32 [tilespmem:s14], [sflag:$0x4], $0x80, s8, s12, $0xb8;
	[tilespmem:$0x1CC00] =	vst v63  }
0x4e: {  	_ =	swait.ge [sflag:s17], $0x4000  }
0x4f: {  	[sflag:s17] =	ssyncset.done $0x0  }
0x50: {  	[sflag:s17] =	ssyncadd.s32 $0xFFFFC000  }
0x51: {  	_ =	swait.ge [sflag:s18], $0x4000  }
0x52: {  	[sflag:s18] =	ssyncset.done $0x0  }
0x53: {  	s9 =	rddreg [dreg:$0xb];
	[sflag:s18] =	ssyncadd.s32 $0xFFFFC000  }
0x54: {  	[tilespmem:s13], [sflag:$0x1] =	stream.indirect.gather [hbm4b:s2+s12], $0x80, s9, s12, $0xb8;
	[tilespmem:$0x1CC00] =	vst v63  }
0x55: {  	s7 =	rddreg [dreg:$0xc]  }
0x56: {  	[tilespmem:s14], [sflag:$0x2] =	stream.indirect.gather [hbm4b:s2+s12], $0x80, s7, s12, $0xb8;
	[tilespmem:$0x1CC00] =	vst v63  }
0x57: {  	_ =	swait.ge [sflag:s15], $0x4000  }
0x58: {  	[sflag:s15] =	ssyncset.done $0x0  }
0x59: {  	s9 =	rddreg [dreg:$0xd];
	[sflag:s15] =	ssyncadd.s32 $0xFFFFC000  }
0x5a: {  	[spmem:s3] =	stream.indirect.scatter.add.f32 [tilespmem:s13], [sflag:$0x3], $0x80, s9, s12, $0xb8;
	[tilespmem:$0x1CC00] =	vst v63  }
0x5b: {  	_ =	swait.ge [sflag:s16], $0x4000  }
0x5c: {  	[sflag:s16] =	ssyncset.done $0x0  }
0x5d: {  	s7 =	rddreg [dreg:$0xe];
	[sflag:s16] =	ssyncadd.s32 $0xFFFFC000  }
0x5e: {  	[spmem:s3] =	stream.indirect.scatter.add.f32 [tilespmem:s14], [sflag:$0x4], $0x80, s7, s12, $0xb8;
	[tilespmem:$0x1CC00] =	vst v63  }
0x5f: {  	_ =	swait.ge [sflag:s17], $0x4000  }
0x60: {  	[sflag:s17] =	ssyncset.done $0x0  }
0x61: {  	[sflag:s17] =	ssyncadd.s32 $0xFFFFC000  }
0x62: {  	_ =	swait.ge [sflag:s18], $0x4000  }
0x63: {  	[sflag:s18] =	ssyncset.done $0x0  }
0x64: {  	s8 =	rddreg [dreg:$0xf];
	[sflag:s18] =	ssyncadd.s32 $0xFFFFC000  }
0x65: {  	[tilespmem:s13], [sflag:$0x1] =	stream.indirect.gather [hbm4b:s2+s12], $0x80, s8, s12, $0xb8;
	[tilespmem:$0x1CC00] =	vst v63  }
0x66: {  	s9 =	rddreg [dreg:$0x10]  }
0x67: {  	[tilespmem:s14], [sflag:$0x2] =	stream.indirect.gather [hbm4b:s2+s12], $0x80, s9, s12, $0xb8;
	[tilespmem:$0x1CC00] =	vst v63  }
0x68: {  	_ =	swait.ge [sflag:s15], $0x4000  }
0x69: {  	[sflag:s15] =	ssyncset.done $0x0  }
0x6a: {  	s7 =	rddreg [dreg:$0x11];
	[sflag:s15] =	ssyncadd.s32 $0xFFFFC000  }
0x6b: {  	[spmem:s3] =	stream.indirect.scatter.add.f32 [tilespmem:s13], [sflag:$0x3], $0x80, s7, s12, $0xb8;
	[tilespmem:$0x1CC00] =	vst v63  }
0x6c: {  	_ =	swait.ge [sflag:s16], $0x4000  }
0x6d: {  	[sflag:s16] =	ssyncset.done $0x0  }
0x6e: {  	s8 =	rddreg [dreg:$0x12];
	[sflag:s16] =	ssyncadd.s32 $0xFFFFC000  }
0x6f: {  	[spmem:s3] =	stream.indirect.scatter.add.f32 [tilespmem:s14], [sflag:$0x4], $0x80, s8, s12, $0xb8;
	[tilespmem:$0x1CC00] =	vst v63  }
0x70: {  	_ =	swait.ge [sflag:s17], $0x4000  }
0x71: {  	[sflag:s17] =	ssyncset.done $0x0  }
0x72: {  	[sflag:s17] =	ssyncadd.s32 $0xFFFFC000  }
0x73: {  	_ =	swait.ge [sflag:s18], $0x4000  }
0x74: {  	[sflag:s18] =	ssyncset.done $0x0  }
0x75: {  	s9 =	rddreg [dreg:$0x13];
	[sflag:s18] =	ssyncadd.s32 $0xFFFFC000  }
0x76: {  	[tilespmem:s13], [sflag:$0x1] =	stream.indirect.gather [hbm4b:s2+s12], $0x80, s9, s12, $0xb8;
	[tilespmem:$0x1CC00] =	vst v63  }
0x77: {  	_ = 	snop  }
0x78: {  	[tilespmem:s14], [sflag:$0x2] =	stream.indirect.gather [hbm4b:s2+s12], $0x80, s19, s12, $0xb8;
	[tilespmem:$0x1CC00] =	vst v63  }
0x79: {  	_ =	swait.ge [sflag:s15], $0x4000  }
0x7a: {  	[sflag:s15] =	ssyncset.done $0x0  }
0x7b: {  	[sflag:s15] =	ssyncadd.s32 $0xFFFFC000  }
0x7c: {  	[spmem:s3] =	stream.indirect.scatter.add.f32 [tilespmem:s13], [sflag:$0x3], $0x80, s20, s12, $0xb8;
	[tilespmem:$0x1CC00] =	vst v63  }
0x7d: {  	_ =	swait.ge [sflag:s16], $0x4000  }
0x7e: {  	[sflag:s16] =	ssyncset.done $0x0  }
0x7f: {  	[sflag:s16] =	ssyncadd.s32 $0xFFFFC000  }
0x80: {  	[spmem:s3] =	stream.indirect.scatter.add.f32 [tilespmem:s14], [sflag:$0x4], $0x80, s21, s12, $0xb8;
	[tilespmem:$0x1CC00] =	vst v63  }
0x81: {  	_ =	swait.ge [sflag:s17], $0x4000  }
0x82: {  	[sflag:s17] =	ssyncset.done $0x0  }
0x83: {  	[sflag:s17] =	ssyncadd.s32 $0xFFFFC000  }
0x84: {  	_ =	swait.ge [sflag:s18], $0x4000  }
0x85: {  	[sflag:s18] =	ssyncset.done $0x0  }
0x86: {  	[sflag:s18] =	ssyncadd.s32 $0xFFFFC000  }
0x87: {  	[tilespmem:s13], [sflag:$0x1] =	stream.indirect.gather [hbm4b:s2+s12], $0x80, s22, s12, $0xb8;
	[tilespmem:$0x1CC00] =	vst v63  }
0x88: {  	_ = 	snop  }
0x89: {  	[tilespmem:s14], [sflag:$0x2] =	stream.indirect.gather [hbm4b:s2+s12], $0x80, s23, s12, $0xb8;
	[tilespmem:$0x1CC00] =	vst v63  }
0x8a: {  	_ =	swait.ge [sflag:s15], $0x4000  }
0x8b: {  	[sflag:s15] =	ssyncset.done $0x0  }
0x8c: {  	[sflag:s15] =	ssyncadd.s32 $0xFFFFC000  }
0x8d: {  	[spmem:s3] =	stream.indirect.scatter.add.f32 [tilespmem:s13], [sflag:$0x3], $0x80, s24, s12, $0xb8;
	[tilespmem:$0x1CC00] =	vst v63  }
0x8e: {  	_ =	swait.ge [sflag:s16], $0x4000  }
0x8f: {  	[sflag:s16] =	ssyncset.done $0x0  }
0x90: {  	[sflag:s16] =	ssyncadd.s32 $0xFFFFC000  }
0x91: {  	[spmem:s3] =	stream.indirect.scatter.add.f32 [tilespmem:s14], [sflag:$0x4], $0x80, s25, s12, $0xb8;
	[tilespmem:$0x1CC00] =	vst v63  }
0x92: {  	_ =	swait.ge [sflag:s17], $0x4000  }
0x93: {  	[sflag:s17] =	ssyncset.done $0x0  }
0x94: {  	[sflag:s17] =	ssyncadd.s32 $0xFFFFC000  }
0x95: {  	_ =	swait.ge [sflag:s18], $0x4000  }
0x96: {  	[sflag:s18] =	ssyncset.done $0x0  }
0x97: {  	[sflag:s18] =	ssyncadd.s32 $0xFFFFC000  }
0x98: {  	[tilespmem:s13], [sflag:$0x1] =	stream.indirect.gather [hbm4b:s2+s12], $0x80, s26, s12, $0xb8;
	[tilespmem:$0x1CC00] =	vst v63  }
0x99: {  	_ = 	snop  }
0x9a: {  	[tilespmem:s14], [sflag:$0x2] =	stream.indirect.gather [hbm4b:s2+s12], $0x80, s28, s12, $0xb8;
	[tilespmem:$0x1CC00] =	vst v63  }
0x9b: {  	_ =	swait.ge [sflag:s15], $0x4000  }
0x9c: {  	[sflag:s15] =	ssyncset.done $0x0  }
0x9d: {  	[sflag:s15] =	ssyncadd.s32 $0xFFFFC000  }
0x9e: {  	[spmem:s3] =	stream.indirect.scatter.add.f32 [tilespmem:s13], [sflag:$0x3], $0x80, s29, s12, $0xb8;
	[tilespmem:$0x1CC00] =	vst v63  }
0x9f: {  	_ =	swait.ge [sflag:s16], $0x4000  }
0xa0: {  	[sflag:s16] =	ssyncset.done $0x0  }
0xa1: {  	[sflag:s16] =	ssyncadd.s32 $0xFFFFC000  }
0xa2: {  	[spmem:s3] =	stream.indirect.scatter.add.f32 [tilespmem:s14], [sflag:$0x4], $0x80, s30, s12, $0xb8;
	[tilespmem:$0x1CC00] =	vst v63  }
0xa3: {  	_ =	swait.ge [sflag:s17], $0x4000  }
0xa4: {  	[sflag:s17] =	ssyncset.done $0x0  }
0xa5: {  	[sflag:s17] =	ssyncadd.s32 $0xFFFFC000  }
0xa6: {  	_ =	swait.ge [sflag:s18], $0x4000  }
0xa7: {  	[sflag:s18] =	ssyncset.done $0x0  }
0xa8: {  	[sflag:s18] =	ssyncadd.s32 $0xFFFFC000  }
0xa9: {  	[tilespmem:s13], [sflag:$0x1] =	stream.indirect.gather [hbm4b:s2+s12], $0x80, s31, s12, $0xb8;
	[tilespmem:$0x1CC00] =	vst v63  }
0xaa: {  	_ = 	snop  }
0xab: {  	[tilespmem:s14], [sflag:$0x2] =	stream.indirect.gather [hbm4b:s2+s12], $0x80, s1, s12, $0xb8;
	[tilespmem:$0x1CC00] =	vst v63  }
0xac: {  	_ =	swait.ge [sflag:s15], $0x4000  }
0xad: {  	[sflag:s15] =	ssyncset.done $0x0  }
0xae: {  	[sflag:s15] =	ssyncadd.s32 $0xFFFFC000  }
0xaf: {  	[spmem:s3] =	stream.indirect.scatter.add.f32 [tilespmem:s13], [sflag:$0x3], $0x80, s0, s12, $0xb8;
	[tilespmem:$0x1CC00] =	vst v63  }
0xb0: {  	_ =	swait.ge [sflag:s16], $0x4000  }
0xb1: {  	[sflag:s16] =	ssyncset.done $0x0  }
0xb2: {  	[sflag:s16] =	ssyncadd.s32 $0xFFFFC000  }
0xb3: {  	[spmem:s3] =	stream.indirect.scatter.add.f32 [tilespmem:s14], [sflag:$0x4], $0x80, s5, s12, $0xb8;
	[tilespmem:$0x1CC00] =	vst v63  }
0xb4: {  	_ =	swait.ge [sflag:s17], $0x4000  }
0xb5: {  	[sflag:s17] =	ssyncset.done $0x0  }
0xb6: {  	[sflag:s17] =	ssyncadd.s32 $0xFFFFC000  }
0xb7: {  	s6 =	simm.s32 $0x200;
	_ =	swait.ge [sflag:s18], $0x4000  }
0xb8: {  	s8 =	simm.s32 $0x100;
	s9 =	rddreg [dreg:$0x5];
	[sflag:s18] =	ssyncset.done $0x0  }
.LBB2_2:
0xb9: {  	[sflag:s18] =	ssyncadd.s32 $0xFFFFC000;
	s9 =	sadd.s32 s8, s9  }
0xba: {  	[tilespmem:s4], [sflag:$0x5] =	stream.linear.gather [hbm4b:s9+s4], $0x800, $0x38;
	[tilespmem:$0x1CC00] =	vst v63  }
0xbb: {  	_ =	swait.ge [sflag:s10], $0x800  }
0xbc: {  	s9 =	rddreg [dreg:$0x4];
	[sflag:s10] =	ssyncset.done $0x0  }
0xbd: {  	[sflag:s10] =	ssyncadd.s32 $0xFFFFF800;
	s9 =	sadd.s32 s8, s9  }
0xbe: {  	[tilespmem:s11], [sflag:$0x5] =	stream.linear.gather [hbm4b:s9+s4], $0x800, $0x38;
	[tilespmem:$0x1CC00] =	vst v63  }
0xbf: {  	_ =	swait.ge [sflag:s10], $0x800  }
0xc0: {  	[sflag:s10] =	ssyncset.done $0x0  }
0xc1: {  	[sflag:s10] =	ssyncadd.s32 $0xFFFFF800  }
0xc2: {  	[tilespmem:s13], [sflag:$0x1] =	stream.indirect.gather [hbm4b:s2+s12], $0x80, s4, s12, $0xb8;
	[tilespmem:$0x1CC00] =	vst v63  }
0xc3: {  	_ = 	snop  }
0xc4: {  	[tilespmem:s14], [sflag:$0x2] =	stream.indirect.gather [hbm4b:s2+s12], $0x80, s12, s12, $0xb8;
	[tilespmem:$0x1CC00] =	vst v63  }
0xc5: {  	_ =	swait.ge [sflag:s15], $0x4000  }
0xc6: {  	[sflag:s15] =	ssyncset.done $0x0  }
0xc7: {  	[sflag:s15] =	ssyncadd.s32 $0xFFFFC000  }
0xc8: {  	[spmem:s3] =	stream.indirect.scatter.add.f32 [tilespmem:s13], [sflag:$0x3], $0x80, s11, s12, $0xb8;
	[tilespmem:$0x1CC00] =	vst v63  }
0xc9: {  	_ =	swait.ge [sflag:s16], $0x4000  }
0xca: {  	[sflag:s16] =	ssyncset.done $0x0  }
0xcb: {  	s9 =	rddreg [dreg:$0x6];
	[sflag:s16] =	ssyncadd.s32 $0xFFFFC000  }
0xcc: {  	[spmem:s3] =	stream.indirect.scatter.add.f32 [tilespmem:s14], [sflag:$0x4], $0x80, s9, s12, $0xb8;
	[tilespmem:$0x1CC00] =	vst v63  }
0xcd: {  	_ =	swait.ge [sflag:s17], $0x4000  }
0xce: {  	[sflag:s17] =	ssyncset.done $0x0  }
0xcf: {  	[sflag:s17] =	ssyncadd.s32 $0xFFFFC000  }
0xd0: {  	_ =	swait.ge [sflag:s18], $0x4000  }
0xd1: {  	s7 =	smov.u32 s6;
	[sflag:s18] =	ssyncset.done $0x0  }
0xd2: {  	s8 =	smov.u32 s7;
	s7 =	rddreg [dreg:$0x7];
	[sflag:s18] =	ssyncadd.s32 $0xFFFFC000  }
0xd3: {  	[tilespmem:s13], [sflag:$0x1] =	stream.indirect.gather [hbm4b:s2+s12], $0x80, s7, s12, $0xb8;
	[tilespmem:$0x1CC00] =	vst v63  }
0xd4: {  	s9 =	rddreg [dreg:$0x8]  }
0xd5: {  	[tilespmem:s14], [sflag:$0x2] =	stream.indirect.gather [hbm4b:s2+s12], $0x80, s9, s12, $0xb8;
	[tilespmem:$0x1CC00] =	vst v63  }
0xd6: {  	_ =	swait.ge [sflag:s15], $0x4000  }
0xd7: {  	[sflag:s15] =	ssyncset.done $0x0  }
0xd8: {  	s9 =	rddreg [dreg:$0x9];
	[sflag:s15] =	ssyncadd.s32 $0xFFFFC000  }
0xd9: {  	[spmem:s3] =	stream.indirect.scatter.add.f32 [tilespmem:s13], [sflag:$0x3], $0x80, s9, s12, $0xb8;
	[tilespmem:$0x1CC00] =	vst v63  }
0xda: {  	_ =	swait.ge [sflag:s16], $0x4000  }
0xdb: {  	[sflag:s16] =	ssyncset.done $0x0  }
0xdc: {  	s9 =	rddreg [dreg:$0xa];
	[sflag:s16] =	ssyncadd.s32 $0xFFFFC000  }
0xdd: {  	[spmem:s3] =	stream.indirect.scatter.add.f32 [tilespmem:s14], [sflag:$0x4], $0x80, s9, s12, $0xb8;
	[tilespmem:$0x1CC00] =	vst v63  }
0xde: {  	_ =	swait.ge [sflag:s17], $0x4000  }
0xdf: {  	[sflag:s17] =	ssyncset.done $0x0  }
0xe0: {  	[sflag:s17] =	ssyncadd.s32 $0xFFFFC000  }
0xe1: {  	_ =	swait.ge [sflag:s18], $0x4000  }
0xe2: {  	[sflag:s18] =	ssyncset.done $0x0  }
0xe3: {  	s7 =	rddreg [dreg:$0xb];
	[sflag:s18] =	ssyncadd.s32 $0xFFFFC000  }
0xe4: {  	[tilespmem:s13], [sflag:$0x1] =	stream.indirect.gather [hbm4b:s2+s12], $0x80, s7, s12, $0xb8;
	[tilespmem:$0x1CC00] =	vst v63  }
0xe5: {  	s9 =	rddreg [dreg:$0xc]  }
0xe6: {  	[tilespmem:s14], [sflag:$0x2] =	stream.indirect.gather [hbm4b:s2+s12], $0x80, s9, s12, $0xb8;
	[tilespmem:$0x1CC00] =	vst v63  }
0xe7: {  	_ =	swait.ge [sflag:s15], $0x4000  }
0xe8: {  	[sflag:s15] =	ssyncset.done $0x0  }
0xe9: {  	s9 =	rddreg [dreg:$0xd];
	[sflag:s15] =	ssyncadd.s32 $0xFFFFC000  }
0xea: {  	[spmem:s3] =	stream.indirect.scatter.add.f32 [tilespmem:s13], [sflag:$0x3], $0x80, s9, s12, $0xb8;
	[tilespmem:$0x1CC00] =	vst v63  }
0xeb: {  	_ =	swait.ge [sflag:s16], $0x4000  }
0xec: {  	[sflag:s16] =	ssyncset.done $0x0  }
0xed: {  	s9 =	rddreg [dreg:$0xe];
	[sflag:s16] =	ssyncadd.s32 $0xFFFFC000  }
0xee: {  	[spmem:s3] =	stream.indirect.scatter.add.f32 [tilespmem:s14], [sflag:$0x4], $0x80, s9, s12, $0xb8;
	[tilespmem:$0x1CC00] =	vst v63  }
0xef: {  	_ =	swait.ge [sflag:s17], $0x4000  }
0xf0: {  	[sflag:s17] =	ssyncset.done $0x0  }
0xf1: {  	[sflag:s17] =	ssyncadd.s32 $0xFFFFC000  }
0xf2: {  	_ =	swait.ge [sflag:s18], $0x4000  }
0xf3: {  	[sflag:s18] =	ssyncset.done $0x0  }
0xf4: {  	s7 =	rddreg [dreg:$0xf];
	[sflag:s18] =	ssyncadd.s32 $0xFFFFC000  }
0xf5: {  	[tilespmem:s13], [sflag:$0x1] =	stream.indirect.gather [hbm4b:s2+s12], $0x80, s7, s12, $0xb8;
	[tilespmem:$0x1CC00] =	vst v63  }
0xf6: {  	s9 =	rddreg [dreg:$0x10]  }
0xf7: {  	[tilespmem:s14], [sflag:$0x2] =	stream.indirect.gather [hbm4b:s2+s12], $0x80, s9, s12, $0xb8;
	[tilespmem:$0x1CC00] =	vst v63  }
0xf8: {  	_ =	swait.ge [sflag:s15], $0x4000  }
0xf9: {  	[sflag:s15] =	ssyncset.done $0x0  }
0xfa: {  	s9 =	rddreg [dreg:$0x11];
	[sflag:s15] =	ssyncadd.s32 $0xFFFFC000  }
0xfb: {  	[spmem:s3] =	stream.indirect.scatter.add.f32 [tilespmem:s13], [sflag:$0x3], $0x80, s9, s12, $0xb8;
	[tilespmem:$0x1CC00] =	vst v63  }
0xfc: {  	_ =	swait.ge [sflag:s16], $0x4000  }
0xfd: {  	[sflag:s16] =	ssyncset.done $0x0  }
0xfe: {  	s9 =	rddreg [dreg:$0x12];
	[sflag:s16] =	ssyncadd.s32 $0xFFFFC000  }
0xff: {  	[spmem:s3] =	stream.indirect.scatter.add.f32 [tilespmem:s14], [sflag:$0x4], $0x80, s9, s12, $0xb8;
	[tilespmem:$0x1CC00] =	vst v63  }
0x100: {  	_ =	swait.ge [sflag:s17], $0x4000  }
0x101: {  	[sflag:s17] =	ssyncset.done $0x0  }
0x102: {  	[sflag:s17] =	ssyncadd.s32 $0xFFFFC000  }
0x103: {  	_ =	swait.ge [sflag:s18], $0x4000  }
0x104: {  	[sflag:s18] =	ssyncset.done $0x0  }
0x105: {  	s9 =	rddreg [dreg:$0x13];
	[sflag:s18] =	ssyncadd.s32 $0xFFFFC000  }
0x106: {  	[tilespmem:s13], [sflag:$0x1] =	stream.indirect.gather [hbm4b:s2+s12], $0x80, s9, s12, $0xb8;
	[tilespmem:$0x1CC00] =	vst v63  }
0x107: {  	_ = 	snop  }
0x108: {  	[tilespmem:s14], [sflag:$0x2] =	stream.indirect.gather [hbm4b:s2+s12], $0x80, s19, s12, $0xb8;
	[tilespmem:$0x1CC00] =	vst v63  }
0x109: {  	_ =	swait.ge [sflag:s15], $0x4000  }
0x10a: {  	[sflag:s15] =	ssyncset.done $0x0  }
0x10b: {  	[sflag:s15] =	ssyncadd.s32 $0xFFFFC000  }
0x10c: {  	[spmem:s3] =	stream.indirect.scatter.add.f32 [tilespmem:s13], [sflag:$0x3], $0x80, s20, s12, $0xb8;
	[tilespmem:$0x1CC00] =	vst v63  }
0x10d: {  	_ =	swait.ge [sflag:s16], $0x4000  }
0x10e: {  	[sflag:s16] =	ssyncset.done $0x0  }
0x10f: {  	[sflag:s16] =	ssyncadd.s32 $0xFFFFC000  }
0x110: {  	[spmem:s3] =	stream.indirect.scatter.add.f32 [tilespmem:s14], [sflag:$0x4], $0x80, s21, s12, $0xb8;
	[tilespmem:$0x1CC00] =	vst v63  }
0x111: {  	_ =	swait.ge [sflag:s17], $0x4000  }
0x112: {  	[sflag:s17] =	ssyncset.done $0x0  }
0x113: {  	[sflag:s17] =	ssyncadd.s32 $0xFFFFC000  }
0x114: {  	_ =	swait.ge [sflag:s18], $0x4000  }
0x115: {  	[sflag:s18] =	ssyncset.done $0x0  }
0x116: {  	[sflag:s18] =	ssyncadd.s32 $0xFFFFC000  }
0x117: {  	[tilespmem:s13], [sflag:$0x1] =	stream.indirect.gather [hbm4b:s2+s12], $0x80, s22, s12, $0xb8;
	[tilespmem:$0x1CC00] =	vst v63  }
0x118: {  	_ = 	snop  }
0x119: {  	[tilespmem:s14], [sflag:$0x2] =	stream.indirect.gather [hbm4b:s2+s12], $0x80, s23, s12, $0xb8;
	[tilespmem:$0x1CC00] =	vst v63  }
0x11a: {  	_ =	swait.ge [sflag:s15], $0x4000  }
0x11b: {  	[sflag:s15] =	ssyncset.done $0x0  }
0x11c: {  	[sflag:s15] =	ssyncadd.s32 $0xFFFFC000  }
0x11d: {  	[spmem:s3] =	stream.indirect.scatter.add.f32 [tilespmem:s13], [sflag:$0x3], $0x80, s24, s12, $0xb8;
	[tilespmem:$0x1CC00] =	vst v63  }
0x11e: {  	_ =	swait.ge [sflag:s16], $0x4000  }
0x11f: {  	[sflag:s16] =	ssyncset.done $0x0  }
0x120: {  	[sflag:s16] =	ssyncadd.s32 $0xFFFFC000  }
0x121: {  	[spmem:s3] =	stream.indirect.scatter.add.f32 [tilespmem:s14], [sflag:$0x4], $0x80, s25, s12, $0xb8;
	[tilespmem:$0x1CC00] =	vst v63  }
0x122: {  	_ =	swait.ge [sflag:s17], $0x4000  }
0x123: {  	[sflag:s17] =	ssyncset.done $0x0  }
0x124: {  	[sflag:s17] =	ssyncadd.s32 $0xFFFFC000  }
0x125: {  	_ =	swait.ge [sflag:s18], $0x4000  }
0x126: {  	[sflag:s18] =	ssyncset.done $0x0  }
0x127: {  	[sflag:s18] =	ssyncadd.s32 $0xFFFFC000  }
0x128: {  	[tilespmem:s13], [sflag:$0x1] =	stream.indirect.gather [hbm4b:s2+s12], $0x80, s26, s12, $0xb8;
	[tilespmem:$0x1CC00] =	vst v63  }
0x129: {  	_ = 	snop  }
0x12a: {  	[tilespmem:s14], [sflag:$0x2] =	stream.indirect.gather [hbm4b:s2+s12], $0x80, s28, s12, $0xb8;
	[tilespmem:$0x1CC00] =	vst v63  }
0x12b: {  	_ =	swait.ge [sflag:s15], $0x4000  }
0x12c: {  	[sflag:s15] =	ssyncset.done $0x0  }
0x12d: {  	[sflag:s15] =	ssyncadd.s32 $0xFFFFC000  }
0x12e: {  	[spmem:s3] =	stream.indirect.scatter.add.f32 [tilespmem:s13], [sflag:$0x3], $0x80, s29, s12, $0xb8;
	[tilespmem:$0x1CC00] =	vst v63  }
0x12f: {  	_ =	swait.ge [sflag:s16], $0x4000  }
0x130: {  	[sflag:s16] =	ssyncset.done $0x0  }
0x131: {  	[sflag:s16] =	ssyncadd.s32 $0xFFFFC000  }
0x132: {  	[spmem:s3] =	stream.indirect.scatter.add.f32 [tilespmem:s14], [sflag:$0x4], $0x80, s30, s12, $0xb8;
	[tilespmem:$0x1CC00] =	vst v63  }
0x133: {  	_ =	swait.ge [sflag:s17], $0x4000  }
0x134: {  	[sflag:s17] =	ssyncset.done $0x0  }
0x135: {  	[sflag:s17] =	ssyncadd.s32 $0xFFFFC000  }
0x136: {  	_ =	swait.ge [sflag:s18], $0x4000  }
0x137: {  	[sflag:s18] =	ssyncset.done $0x0  }
0x138: {  	[sflag:s18] =	ssyncadd.s32 $0xFFFFC000  }
0x139: {  	[tilespmem:s13], [sflag:$0x1] =	stream.indirect.gather [hbm4b:s2+s12], $0x80, s31, s12, $0xb8;
	[tilespmem:$0x1CC00] =	vst v63  }
0x13a: {  	_ = 	snop  }
0x13b: {  	[tilespmem:s14], [sflag:$0x2] =	stream.indirect.gather [hbm4b:s2+s12], $0x80, s1, s12, $0xb8;
	[tilespmem:$0x1CC00] =	vst v63  }
0x13c: {  	_ =	swait.ge [sflag:s15], $0x4000  }
0x13d: {  	[sflag:s15] =	ssyncset.done $0x0  }
0x13e: {  	[sflag:s15] =	ssyncadd.s32 $0xFFFFC000  }
0x13f: {  	[spmem:s3] =	stream.indirect.scatter.add.f32 [tilespmem:s13], [sflag:$0x3], $0x80, s0, s12, $0xb8;
	[tilespmem:$0x1CC00] =	vst v63  }
0x140: {  	_ =	swait.ge [sflag:s16], $0x4000  }
0x141: {  	[sflag:s16] =	ssyncset.done $0x0  }
0x142: {  	p0 =	sne.s32 s6, $0x400;
	[sflag:s16] =	ssyncadd.s32 $0xFFFFC000  }
0x143: {  	[spmem:s3] =	stream.indirect.scatter.add.f32 [tilespmem:s14], [sflag:$0x4], $0x80, s5, s12, $0xb8;
	[tilespmem:$0x1CC00] =	vst v63  }
.Ltmp0:
0x144: {  	_ =	swait.ge [sflag:s17], $0x4000;
	(pc) =	sbr.rel @p0 .LBB2_2-.Ltmp0, $4  }
0x145: {  	[sflag:s17] =	ssyncset.done $0x0  }
0x146: {  	[sflag:s17] =	ssyncadd.s32 $0xFFFFC000  }
0x147: {  	_ =	swait.ge [sflag:s18], $0x4000  }
0x148: {  	s6 =	sadd.s32 $0x100, s6;
	s9 =	rddreg [dreg:$0x5];
	[sflag:s18] =	ssyncset.done $0x0  }
0x149: {  	[sflag:s18] =	ssyncadd.s32 $0xFFFFC000;
	s6 =	sadd.s32 s8, s9  }
0x14a: {  	[tilespmem:s4], [sflag:$0x5] =	stream.linear.gather [hbm4b:s6+s4], $0x800, $0x38;
	[tilespmem:$0x1CC00] =	vst v63  }
0x14b: {  	_ =	swait.ge [sflag:s10], $0x800  }
0x14c: {  	s9 =	rddreg [dreg:$0x4];
	[sflag:s10] =	ssyncset.done $0x0  }
0x14d: {  	[sflag:s10] =	ssyncadd.s32 $0xFFFFF800;
	s6 =	sadd.s32 s8, s9  }
0x14e: {  	[tilespmem:s11], [sflag:$0x5] =	stream.linear.gather [hbm4b:s6+s4], $0x800, $0x38;
	[tilespmem:$0x1CC00] =	vst v63  }
0x14f: {  	_ =	swait.ge [sflag:s10], $0x800  }
0x150: {  	[sflag:s10] =	ssyncset.done $0x0  }
0x151: {  	[sflag:s10] =	ssyncadd.s32 $0xFFFFF800  }
0x152: {  	[tilespmem:s13], [sflag:$0x1] =	stream.indirect.gather [hbm4b:s2+s12], $0x80, s4, s12, $0xb8;
	[tilespmem:$0x1CC00] =	vst v63  }
0x153: {  	_ = 	snop  }
0x154: {  	[tilespmem:s14], [sflag:$0x2] =	stream.indirect.gather [hbm4b:s2+s12], $0x80, s12, s12, $0xb8;
	[tilespmem:$0x1CC00] =	vst v63  }
0x155: {  	_ =	swait.ge [sflag:s15], $0x4000  }
0x156: {  	[sflag:s15] =	ssyncset.done $0x0  }
0x157: {  	[sflag:s15] =	ssyncadd.s32 $0xFFFFC000  }
0x158: {  	[spmem:s3] =	stream.indirect.scatter.add.f32 [tilespmem:s13], [sflag:$0x3], $0x80, s11, s12, $0xb8;
	[tilespmem:$0x1CC00] =	vst v63  }
0x159: {  	_ =	swait.ge [sflag:s16], $0x4000  }
0x15a: {  	[sflag:s16] =	ssyncset.done $0x0  }
0x15b: {  	s7 =	rddreg [dreg:$0x6];
	[sflag:s16] =	ssyncadd.s32 $0xFFFFC000  }
0x15c: {  	[spmem:s3] =	stream.indirect.scatter.add.f32 [tilespmem:s14], [sflag:$0x4], $0x80, s7, s12, $0xb8;
	[tilespmem:$0x1CC00] =	vst v63  }
0x15d: {  	_ =	swait.ge [sflag:s17], $0x4000  }
0x15e: {  	[sflag:s17] =	ssyncset.done $0x0  }
0x15f: {  	[sflag:s17] =	ssyncadd.s32 $0xFFFFC000  }
0x160: {  	_ =	swait.ge [sflag:s18], $0x4000  }
0x161: {  	[sflag:s18] =	ssyncset.done $0x0  }
0x162: {  	s8 =	rddreg [dreg:$0x7];
	[sflag:s18] =	ssyncadd.s32 $0xFFFFC000  }
0x163: {  	[tilespmem:s13], [sflag:$0x1] =	stream.indirect.gather [hbm4b:s2+s12], $0x80, s8, s12, $0xb8;
	[tilespmem:$0x1CC00] =	vst v63  }
0x164: {  	s7 =	rddreg [dreg:$0x8]  }
0x165: {  	[tilespmem:s14], [sflag:$0x2] =	stream.indirect.gather [hbm4b:s2+s12], $0x80, s7, s12, $0xb8;
	[tilespmem:$0x1CC00] =	vst v63  }
0x166: {  	_ =	swait.ge [sflag:s15], $0x4000  }
0x167: {  	[sflag:s15] =	ssyncset.done $0x0  }
0x168: {  	s9 =	rddreg [dreg:$0x9];
	[sflag:s15] =	ssyncadd.s32 $0xFFFFC000  }
0x169: {  	[spmem:s3] =	stream.indirect.scatter.add.f32 [tilespmem:s13], [sflag:$0x3], $0x80, s9, s12, $0xb8;
	[tilespmem:$0x1CC00] =	vst v63  }
0x16a: {  	_ =	swait.ge [sflag:s16], $0x4000  }
0x16b: {  	[sflag:s16] =	ssyncset.done $0x0  }
0x16c: {  	s7 =	rddreg [dreg:$0xa];
	[sflag:s16] =	ssyncadd.s32 $0xFFFFC000  }
0x16d: {  	[spmem:s3] =	stream.indirect.scatter.add.f32 [tilespmem:s14], [sflag:$0x4], $0x80, s7, s12, $0xb8;
	[tilespmem:$0x1CC00] =	vst v63  }
0x16e: {  	_ =	swait.ge [sflag:s17], $0x4000  }
0x16f: {  	[sflag:s17] =	ssyncset.done $0x0  }
0x170: {  	[sflag:s17] =	ssyncadd.s32 $0xFFFFC000  }
0x171: {  	_ =	swait.ge [sflag:s18], $0x4000  }
0x172: {  	[sflag:s18] =	ssyncset.done $0x0  }
0x173: {  	s8 =	rddreg [dreg:$0xb];
	[sflag:s18] =	ssyncadd.s32 $0xFFFFC000  }
0x174: {  	[tilespmem:s13], [sflag:$0x1] =	stream.indirect.gather [hbm4b:s2+s12], $0x80, s8, s12, $0xb8;
	[tilespmem:$0x1CC00] =	vst v63  }
0x175: {  	s9 =	rddreg [dreg:$0xc]  }
0x176: {  	[tilespmem:s14], [sflag:$0x2] =	stream.indirect.gather [hbm4b:s2+s12], $0x80, s9, s12, $0xb8;
	[tilespmem:$0x1CC00] =	vst v63  }
0x177: {  	_ =	swait.ge [sflag:s15], $0x4000  }
0x178: {  	[sflag:s15] =	ssyncset.done $0x0  }
0x179: {  	s8 =	rddreg [dreg:$0xd];
	[sflag:s15] =	ssyncadd.s32 $0xFFFFC000  }
0x17a: {  	[spmem:s3] =	stream.indirect.scatter.add.f32 [tilespmem:s13], [sflag:$0x3], $0x80, s8, s12, $0xb8;
	[tilespmem:$0x1CC00] =	vst v63  }
0x17b: {  	_ =	swait.ge [sflag:s16], $0x4000  }
0x17c: {  	[sflag:s16] =	ssyncset.done $0x0  }
0x17d: {  	s9 =	rddreg [dreg:$0xe];
	[sflag:s16] =	ssyncadd.s32 $0xFFFFC000  }
0x17e: {  	[spmem:s3] =	stream.indirect.scatter.add.f32 [tilespmem:s14], [sflag:$0x4], $0x80, s9, s12, $0xb8;
	[tilespmem:$0x1CC00] =	vst v63  }
0x17f: {  	_ =	swait.ge [sflag:s17], $0x4000  }
0x180: {  	[sflag:s17] =	ssyncset.done $0x0  }
0x181: {  	[sflag:s17] =	ssyncadd.s32 $0xFFFFC000  }
0x182: {  	_ =	swait.ge [sflag:s18], $0x4000  }
0x183: {  	[sflag:s18] =	ssyncset.done $0x0  }
0x184: {  	s7 =	rddreg [dreg:$0xf];
	[sflag:s18] =	ssyncadd.s32 $0xFFFFC000  }
0x185: {  	[tilespmem:s13], [sflag:$0x1] =	stream.indirect.gather [hbm4b:s2+s12], $0x80, s7, s12, $0xb8;
	[tilespmem:$0x1CC00] =	vst v63  }
0x186: {  	s8 =	rddreg [dreg:$0x10]  }
0x187: {  	[tilespmem:s14], [sflag:$0x2] =	stream.indirect.gather [hbm4b:s2+s12], $0x80, s8, s12, $0xb8;
	[tilespmem:$0x1CC00] =	vst v63  }
0x188: {  	_ =	swait.ge [sflag:s15], $0x4000  }
0x189: {  	[sflag:s15] =	ssyncset.done $0x0  }
0x18a: {  	s9 =	rddreg [dreg:$0x11];
	[sflag:s15] =	ssyncadd.s32 $0xFFFFC000  }
0x18b: {  	[spmem:s3] =	stream.indirect.scatter.add.f32 [tilespmem:s13], [sflag:$0x3], $0x80, s9, s12, $0xb8;
	[tilespmem:$0x1CC00] =	vst v63  }
0x18c: {  	_ =	swait.ge [sflag:s16], $0x4000  }
0x18d: {  	[sflag:s16] =	ssyncset.done $0x0  }
0x18e: {  	s7 =	rddreg [dreg:$0x12];
	[sflag:s16] =	ssyncadd.s32 $0xFFFFC000  }
0x18f: {  	[spmem:s3] =	stream.indirect.scatter.add.f32 [tilespmem:s14], [sflag:$0x4], $0x80, s7, s12, $0xb8;
	[tilespmem:$0x1CC00] =	vst v63  }
0x190: {  	_ =	swait.ge [sflag:s17], $0x4000  }
0x191: {  	[sflag:s17] =	ssyncset.done $0x0  }
0x192: {  	[sflag:s17] =	ssyncadd.s32 $0xFFFFC000  }
0x193: {  	_ =	swait.ge [sflag:s18], $0x4000  }
0x194: {  	[sflag:s18] =	ssyncset.done $0x0  }
0x195: {  	s8 =	rddreg [dreg:$0x13];
	[sflag:s18] =	ssyncadd.s32 $0xFFFFC000  }
0x196: {  	[tilespmem:s13], [sflag:$0x1] =	stream.indirect.gather [hbm4b:s2+s12], $0x80, s8, s12, $0xb8;
	[tilespmem:$0x1CC00] =	vst v63  }
0x197: {  	_ = 	snop  }
0x198: {  	[tilespmem:s14], [sflag:$0x2] =	stream.indirect.gather [hbm4b:s2+s12], $0x80, s19, s12, $0xb8;
	[tilespmem:$0x1CC00] =	vst v63  }
0x199: {  	_ =	swait.ge [sflag:s15], $0x4000  }
0x19a: {  	[sflag:s15] =	ssyncset.done $0x0  }
0x19b: {  	[sflag:s15] =	ssyncadd.s32 $0xFFFFC000  }
0x19c: {  	[spmem:s3] =	stream.indirect.scatter.add.f32 [tilespmem:s13], [sflag:$0x3], $0x80, s20, s12, $0xb8;
	[tilespmem:$0x1CC00] =	vst v63  }
0x19d: {  	_ =	swait.ge [sflag:s16], $0x4000  }
0x19e: {  	[sflag:s16] =	ssyncset.done $0x0  }
0x19f: {  	[sflag:s16] =	ssyncadd.s32 $0xFFFFC000  }
0x1a0: {  	[spmem:s3] =	stream.indirect.scatter.add.f32 [tilespmem:s14], [sflag:$0x4], $0x80, s21, s12, $0xb8;
	[tilespmem:$0x1CC00] =	vst v63  }
0x1a1: {  	_ =	swait.ge [sflag:s17], $0x4000  }
0x1a2: {  	[sflag:s17] =	ssyncset.done $0x0  }
0x1a3: {  	[sflag:s17] =	ssyncadd.s32 $0xFFFFC000  }
0x1a4: {  	_ =	swait.ge [sflag:s18], $0x4000  }
0x1a5: {  	[sflag:s18] =	ssyncset.done $0x0  }
0x1a6: {  	[sflag:s18] =	ssyncadd.s32 $0xFFFFC000  }
0x1a7: {  	[tilespmem:s13], [sflag:$0x1] =	stream.indirect.gather [hbm4b:s2+s12], $0x80, s22, s12, $0xb8;
	[tilespmem:$0x1CC00] =	vst v63  }
0x1a8: {  	_ = 	snop  }
0x1a9: {  	[tilespmem:s14], [sflag:$0x2] =	stream.indirect.gather [hbm4b:s2+s12], $0x80, s23, s12, $0xb8;
	[tilespmem:$0x1CC00] =	vst v63  }
0x1aa: {  	_ =	swait.ge [sflag:s15], $0x4000  }
0x1ab: {  	[sflag:s15] =	ssyncset.done $0x0  }
0x1ac: {  	[sflag:s15] =	ssyncadd.s32 $0xFFFFC000  }
0x1ad: {  	[spmem:s3] =	stream.indirect.scatter.add.f32 [tilespmem:s13], [sflag:$0x3], $0x80, s24, s12, $0xb8;
	[tilespmem:$0x1CC00] =	vst v63  }
0x1ae: {  	_ =	swait.ge [sflag:s16], $0x4000  }
0x1af: {  	[sflag:s16] =	ssyncset.done $0x0  }
0x1b0: {  	[sflag:s16] =	ssyncadd.s32 $0xFFFFC000  }
0x1b1: {  	[spmem:s3] =	stream.indirect.scatter.add.f32 [tilespmem:s14], [sflag:$0x4], $0x80, s25, s12, $0xb8;
	[tilespmem:$0x1CC00] =	vst v63  }
0x1b2: {  	_ =	swait.ge [sflag:s17], $0x4000  }
0x1b3: {  	[sflag:s17] =	ssyncset.done $0x0  }
0x1b4: {  	[sflag:s17] =	ssyncadd.s32 $0xFFFFC000  }
0x1b5: {  	_ =	swait.ge [sflag:s18], $0x4000  }
0x1b6: {  	[sflag:s18] =	ssyncset.done $0x0  }
0x1b7: {  	[sflag:s18] =	ssyncadd.s32 $0xFFFFC000  }
0x1b8: {  	[tilespmem:s13], [sflag:$0x1] =	stream.indirect.gather [hbm4b:s2+s12], $0x80, s26, s12, $0xb8;
	[tilespmem:$0x1CC00] =	vst v63  }
0x1b9: {  	_ = 	snop  }
0x1ba: {  	[tilespmem:s14], [sflag:$0x2] =	stream.indirect.gather [hbm4b:s2+s12], $0x80, s28, s12, $0xb8;
	[tilespmem:$0x1CC00] =	vst v63  }
0x1bb: {  	_ =	swait.ge [sflag:s15], $0x4000  }
0x1bc: {  	[sflag:s15] =	ssyncset.done $0x0  }
0x1bd: {  	[sflag:s15] =	ssyncadd.s32 $0xFFFFC000  }
0x1be: {  	[spmem:s3] =	stream.indirect.scatter.add.f32 [tilespmem:s13], [sflag:$0x3], $0x80, s29, s12, $0xb8;
	[tilespmem:$0x1CC00] =	vst v63  }
0x1bf: {  	_ =	swait.ge [sflag:s16], $0x4000  }
0x1c0: {  	[sflag:s16] =	ssyncset.done $0x0  }
0x1c1: {  	[sflag:s16] =	ssyncadd.s32 $0xFFFFC000  }
0x1c2: {  	[spmem:s3] =	stream.indirect.scatter.add.f32 [tilespmem:s14], [sflag:$0x4], $0x80, s30, s12, $0xb8;
	[tilespmem:$0x1CC00] =	vst v63  }
0x1c3: {  	_ =	swait.ge [sflag:s17], $0x4000  }
0x1c4: {  	[sflag:s17] =	ssyncset.done $0x0  }
0x1c5: {  	[sflag:s17] =	ssyncadd.s32 $0xFFFFC000  }
0x1c6: {  	_ =	swait.ge [sflag:s18], $0x4000  }
0x1c7: {  	[sflag:s18] =	ssyncset.done $0x0  }
0x1c8: {  	[sflag:s18] =	ssyncadd.s32 $0xFFFFC000  }
0x1c9: {  	[tilespmem:s13], [sflag:$0x1] =	stream.indirect.gather [hbm4b:s2+s12], $0x80, s31, s12, $0xb8;
	[tilespmem:$0x1CC00] =	vst v63  }
0x1ca: {  	_ = 	snop  }
0x1cb: {  	[tilespmem:s14], [sflag:$0x2] =	stream.indirect.gather [hbm4b:s2+s12], $0x80, s1, s12, $0xb8;
	[tilespmem:$0x1CC00] =	vst v63  }
0x1cc: {  	_ =	swait.ge [sflag:s15], $0x4000  }
0x1cd: {  	[sflag:s15] =	ssyncset.done $0x0  }
0x1ce: {  	[sflag:s15] =	ssyncadd.s32 $0xFFFFC000  }
0x1cf: {  	[spmem:s3] =	stream.indirect.scatter.add.f32 [tilespmem:s13], [sflag:$0x3], $0x80, s0, s12, $0xb8;
	[tilespmem:$0x1CC00] =	vst v63  }
0x1d0: {  	_ =	swait.ge [sflag:s16], $0x4000  }
0x1d1: {  	[sflag:s16] =	ssyncset.done $0x0  }
0x1d2: {  	[sflag:s16] =	ssyncadd.s32 $0xFFFFC000  }
0x1d3: {  	[spmem:s3] =	stream.indirect.scatter.add.f32 [tilespmem:s14], [sflag:$0x4], $0x80, s5, s12, $0xb8;
	[tilespmem:$0x1CC00] =	vst v63  }
0x1d4: {  	_ =	swait.ge [sflag:s17], $0x4000  }
0x1d5: {  	[sflag:s17] =	ssyncset.done $0x0  }
0x1d6: {  	[sflag:s17] =	ssyncadd.s32 $0xFFFFC000  }
0x1d7: {  	_ =	swait.ge [sflag:s18], $0x4000  }
0x1d8: {  	[sflag:s18] =	ssyncset.done $0x0  }
0x1d9: {  	[sflag:s18] =	ssyncadd.s32 $0xFFFFC000  }
0x1da: {  	[bflag:$0x0] =	sbarrier.arrive $0xFFFF  }
0x1db: {  	s8 =	rddreg [dreg:$0x15]  }
0x1dc: {  	s9 =	rddreg [dreg:$0x16]  }
0x1dd: {  	s7 =	rddreg [dreg:$0x18]  }
0x1de: {  	[hbm:s9], [sflag:s8] =	dma.local [spmem:s7], $0x2780  }
0x1df: {  	_ =	swait.ge [sflag:s10], $0x2780  }
0x1e0: {  	s6 =	rddreg [dreg:$0x19]  }
0x1e1: {  	s9 =	sadd.s32 $0x1, s6;
	s6 =	rddreg [dreg:$0x17]  }
0x1e2: {  	p0 =	sne.s32 s9, s6  }
.Ltmp1:
0x1e3: {  	_ = 	snop;
	(pc) =	sbr.rel @p0 .LBB2_1-.Ltmp1, $3  }
0x1e4: {  	_ =	sdelay $0x1  }
0x1e5: {  	[sflag:s10] =	ssyncset.done $0x0  }
0x1e6: {  	[sflag:s10] =	ssyncadd.s32 $0xFFFFD880  }
0x1e7: {  	_ =	sfence.sel $0x180000  }
0x1e8: {  	[bflag:$0x0] =	sbarrier.arrive $0xFFFF  }
0x1e9: {  	_ =	strace $0x90000047  }
0x1ea: {  	s0 =	stileid.u32;
	[bflag:$0x2] =	sbarrier.arrive $0xFFFF  }
0x1eb: {  	p0 =	sne.s32 s0, $0x0;
	s0 =	rddreg [dreg:$0x3]  }
0x1ec: {  	s0 =	sadd.s32 @!p0 $0x100000, s0  }
0x1ed: {  	[sflag:s0] =	ssyncadd.tile.s32 @!p0 $0x1;
	_ =	shalt  }
.Lfunc_end2:
_tile_overlayer_lowered:
.L_overlay_start_2:
0x1ee: {  	(tag) =	ssettag $0x2  }
0x1ef: {  	s0 =	rddreg [dreg:$0x0];
	s2 =	stileid.u32  }
0x1f0: {  	s1 =	rddreg [dreg:$0x1];
	p0 =	sne.s32 s2, $0x0  }
0x1f1: {  	s3 =	rddreg [dreg:$0x2];
	[bflag:$0x3] =	sbarrier.arrive $0xFFFF;
	s2 =	simm.s32 @!p0 $0x1C05  }
0x1f2: {  	[timem:s3], [sflag:s2] =	dma.local @!p0 [hbm:s0], s1  }
0x1f3: {  	s0 =	simm.s32 @!p0 $0x5  }
0x1f4: {  	_ =	swait.ge @!p0 [sflag:s0], s1  }
0x1f5: {  	s1 =	ssub.s32 @!p0 $0x0, s1;
	[sflag:s0] =	ssyncset.done @!p0 $0x0  }
0x1f6: {  	[sflag:s0] =	ssyncadd.s32 @!p0 s1  }
0x1f7: {  	[bflag:$0x3] =	sbarrier.arrive $0xFFFF  }
0x1f8: {  	_ =	shalt  }

</sc_bundles>
